<compile_context>
chip_gen: v7x
topology: tpu7x:2x2x1
jax: 0.10.2.dev20260603
libtpu: 0.0.44.dev20260713+nightly
codegen_flags: <defaults>
</compile_context>

<pallas_src>
import functools

import jax
import jax.numpy as jnp
from jax import lax
from jax.experimental import pallas as pl
from jax.experimental.pallas import tpu as pltpu
from jax.experimental.pallas import tpu_sc as plsc

_BATCH = 16384
_N_SLOTS = 26
_VOCAB = 100000
_EMB = 32

_NW = 32
_BPW = _BATCH // _NW
_IW = 128
_NG = _BPW // _IW


def _body(tab_hbm, idxt_hbm, out_hbm, col_v, rows_v, gsem, wsem):
    nc = 2
    wid = lax.axis_index("s") * nc + lax.axis_index("c")
    b0 = wid * _BPW

    def stage(i, s):
        pltpu.sync_copy(idxt_hbm.at[i, pl.ds(b0, _BPW)], col_v.at[s])

    def fire_gathers(i, s):
        for j in range(_NG):
            pltpu.async_copy(
                tab_hbm.at[i].at[col_v.at[s, pl.ds(j * _IW, _IW)]],
                rows_v.at[s, pl.ds(j * _IW, _IW)],
                gsem.at[s],
            )

    def drain_gathers(i, s):
        for j in range(_NG):
            pltpu.make_async_copy(
                tab_hbm.at[i].at[col_v.at[s, pl.ds(j * _IW, _IW)]],
                rows_v.at[s, pl.ds(j * _IW, _IW)],
                gsem.at[s],
            ).wait()

    def fire_write(i, s):
        pltpu.async_copy(
            rows_v.at[s], out_hbm.at[pl.ds(b0, _BPW), i], wsem.at[s]
        )

    def wait_write(i, s):
        pltpu.make_async_copy(
            rows_v.at[s], out_hbm.at[pl.ds(b0, _BPW), i], wsem.at[s]
        ).wait()

    def step(i):
        s = lax.rem(i, 2)
        p = 1 - s
        @pl.when(i >= 2)
        def _():
            wait_write(i - 2, s)

        stage(i, s)
        fire_gathers(i, s)

        @pl.when(i >= 1)
        def _():
            drain_gathers(i - 1, p)
            fire_write(i - 1, p)

    pl.loop(0, _N_SLOTS)(step)

    s_last = (_N_SLOTS - 1) % 2
    drain_gathers(_N_SLOTS - 1, s_last)
    fire_write(_N_SLOTS - 1, s_last)
    wait_write(_N_SLOTS - 2, 1 - s_last)
    wait_write(_N_SLOTS - 1, s_last)


def kernel(input, tables):
    idxt = input.T
    mesh = plsc.VectorSubcoreMesh(core_axis_name="c", subcore_axis_name="s")
    k = functools.partial(
        pl.kernel,
        out_type=jax.ShapeDtypeStruct((_BATCH, _N_SLOTS, _EMB), jnp.float32),
        mesh=mesh,
        scratch_types=[
            pltpu.VMEM((2, _BPW), jnp.int32),
            pltpu.VMEM((2, _BPW, _EMB), jnp.float32),
            pltpu.SemaphoreType.DMA((2,)),
            pltpu.SemaphoreType.DMA((2,)),
        ],
        compiler_params=pltpu.CompilerParams(use_tc_tiling_on_sc=False),
    )(_body)
    return k(tables, idxt)

# --- scband reference (transcript-rebuilt; emitter-appended) ---
"""Pipeline reference for scband-simple-slot-encoder-43911745635057 (READ-ONLY COPY).

The authoritative reference and input builder live on the scoring server;
editing this copy changes nothing except your own understanding.
"""

import jax, jax.numpy as jnp
import numpy as np

BATCH = 16384
N_SLOTS = 26
VOCAB = 100000
EMB_DIM = 32

def setup_inputs(seed: int = 0) -> dict:
    key = jax.random.key(seed)
    k1, k2 = jax.random.split(key)
    inp = jax.random.randint(k1, (BATCH, N_SLOTS), 0, VOCAB, dtype=jnp.int32)
    # One embedding table per slot, stacked: [N_SLOTS, VOCAB, EMB_DIM]
    tables = jax.random.normal(k2, (N_SLOTS, VOCAB, EMB_DIM), dtype=jnp.float32) * 0.02
    return {"input": inp, "tables": tables}

def reference(input, tables):
    # For each slot i: output[:, i, :] = tables[i][input[:, i]]
    # Dropout with p=0.0 is the identity, so it is omitted.
    out = jax.vmap(lambda tab, idx: jnp.take(tab, idx, axis=0), in_axes=(0, 1), out_axes=1)(tables, input)
    return out

if __name__ == "__main__":
    import jax
    _d = setup_inputs()
    print(jax.jit(kernel)(*tuple(_d.values())))

</pallas_src>

<mosaic_0001>
#map = affine_map<(d0, d1) -> (0, 0, 0)>
#map1 = affine_map<(d0, d1) -> (0, 0)>
module attributes {stable_mosaic.version = 14 : i64} {
  func.func @_body(%arg0: i32, %arg1: i32, %arg2: memref<26x100000x32xf32, #tpu.memory_space<hbm>>, %arg3: memref<26x16384xi32, #tpu.memory_space<hbm>>, %arg4: memref<16384x26x32xf32, #tpu.memory_space<hbm>>, %arg5: memref<2x512xi32, #tpu.memory_space<vmem>>, %arg6: memref<2x512x32xf32, #tpu.memory_space<vmem>>, %arg7: memref<2x!tpu.dma_semaphore, #tpu.memory_space<semaphore_mem>>, %arg8: memref<2x!tpu.dma_semaphore, #tpu.memory_space<semaphore_mem>>) attributes {dimension_semantics = [#tpu.dimension_semantics<core_parallel>, #tpu.dimension_semantics<subcore_parallel>], iteration_bounds = array<i64: 2, 16>, scalar_prefetch = 0 : i64, scratch_operands = 4 : i64, tpu.core_type = #tpu.core_type<sc_vector_subcore>, window_params = [{transform_indices = #map}, {transform_indices = #map1}, {transform_indices = #map}]} {
    %mul3A = arith.constant 2 : i32
    %mul3A_0 = arith.muli %arg1, %mul3A : i32
    %add3A = arith.addi %mul3A_0, %arg0 : i32
    %mul3A_1 = arith.constant 512 : i32
    %mul3A_2 = arith.muli %add3A, %mul3A_1 : i32
    %scan3A = arith.constant 0 : i32
    %scan3A_3 = arith.constant 26 : i32
    %scan3A_4 = arith.addi %scan3A, %scan3A_3 : i32
    %scan3A_5 = arith.constant 1 : i32
    scf.for %scan3A_142 = %scan3A to %scan3A_4 step %scan3A_5  : i32 {
      %mul3A_143 = arith.constant 1 : i32
      %mul3A_144 = arith.muli %scan3A_142, %mul3A_143 : i32
      %add3A_145 = arith.constant 0 : i32
      %add3A_146 = arith.addi %add3A_145, %mul3A_144 : i32
      %rem3A = arith.constant 2 : i32
      %rem3A_147 = arith.remsi %add3A_146, %rem3A : i32
      %sub3A = arith.constant 1 : i32
      %sub3A_148 = arith.subi %sub3A, %rem3A_147 : i32
      %ge3A = arith.constant 2 : i32
      %ge3A_149 = arith.cmpi sge, %add3A_146, %ge3A : i32
      %convert_element_type3A = arith.extui %ge3A_149 : i1 to i32
      %cond3A = arith.constant 0 : i32
      %cond3A_150 = arith.cmpi ne, %convert_element_type3A, %cond3A : i32
      scf.if %cond3A_150 {
        %sub3A_220 = arith.constant 2 : i32
        %sub3A_221 = arith.subi %add3A_146, %sub3A_220 : i32
        %dma_wait3A_222 = arith.constant 0 : i32
        %dma_wait3A_223 = arith.constant 0 : i32
        %dma_wait3A_224 = tpu.memref_slice %arg6[%rem3A_147, %dma_wait3A_222, %dma_wait3A_223] : memref<2x512x32xf32, #tpu.memory_space<vmem>> -> memref<1x512x32xf32, #tpu.memory_space<vmem>>
        %dma_wait3A_225 = tpu.memref_squeeze %dma_wait3A_224 : memref<1x512x32xf32, #tpu.memory_space<vmem>> -> memref<512x32xf32, #tpu.memory_space<vmem>>
        %dma_wait3A_226 = arith.constant 0 : i32
        %dma_wait3A_227 = tpu.memref_slice %arg4[%mul3A_2, %sub3A_221, %dma_wait3A_226] : memref<16384x26x32xf32, #tpu.memory_space<hbm>> -> memref<512x1x32xf32, #tpu.memory_space<hbm>>
        %dma_wait3A_228 = tpu.memref_squeeze %dma_wait3A_227 : memref<512x1x32xf32, #tpu.memory_space<hbm>> -> memref<512x32xf32, #tpu.memory_space<hbm>>
        %dma_wait3A_229 = tpu.memref_slice %arg8[%rem3A_147] : memref<2x!tpu.dma_semaphore, #tpu.memory_space<semaphore_mem>> -> memref<1x!tpu.dma_semaphore, #tpu.memory_space<semaphore_mem>>
        %dma_wait3A_230 = tpu.memref_squeeze %dma_wait3A_229 : memref<1x!tpu.dma_semaphore, #tpu.memory_space<semaphore_mem>> -> memref<!tpu.dma_semaphore, #tpu.memory_space<semaphore_mem>>
        %dma_wait3A_231 = arith.constant 0 : i32
        %dma_wait3A_232 = tpu.memref_slice %arg4[%mul3A_2, %sub3A_221, %dma_wait3A_231] : memref<16384x26x32xf32, #tpu.memory_space<hbm>> -> memref<512x1x32xf32, #tpu.memory_space<hbm>>
        %dma_wait3A_233 = tpu.memref_squeeze %dma_wait3A_232 : memref<512x1x32xf32, #tpu.memory_space<hbm>> -> memref<512x32xf32, #tpu.memory_space<hbm>>
        %dma_wait3A_234 = arith.constant 0 : i32
        %dma_wait3A_235 = arith.constant 0 : i32
        %dma_wait3A_236 = tpu.memref_slice %arg6[%rem3A_147, %dma_wait3A_234, %dma_wait3A_235] : memref<2x512x32xf32, #tpu.memory_space<vmem>> -> memref<1x512x32xf32, #tpu.memory_space<vmem>>
        %dma_wait3A_237 = tpu.memref_squeeze %dma_wait3A_236 : memref<1x512x32xf32, #tpu.memory_space<vmem>> -> memref<512x32xf32, #tpu.memory_space<vmem>>
        tpu.wait_dma2 semaphore(%dma_wait3A_230 : memref<!tpu.dma_semaphore, #tpu.memory_space<semaphore_mem>>) src(%dma_wait3A_237 : memref<512x32xf32, #tpu.memory_space<vmem>>) dst(%dma_wait3A_233 : memref<512x32xf32, #tpu.memory_space<hbm>>)
      } else {
      }
      "tpu.region"() ({
        %run_scoped3A = tpu.sem_alloc : memref<!tpu.dma_semaphore, #tpu.memory_space<semaphore_mem>>
        %dma_start3A_220 = arith.constant 0 : i32
        %dma_start3A_221 = tpu.memref_slice %arg5[%rem3A_147, %dma_start3A_220] : memref<2x512xi32, #tpu.memory_space<vmem>> -> memref<1x512xi32, #tpu.memory_space<vmem>>
        %dma_start3A_222 = tpu.memref_squeeze %dma_start3A_221 : memref<1x512xi32, #tpu.memory_space<vmem>> -> memref<512xi32, #tpu.memory_space<vmem>>
        %dma_start3A_223 = tpu.memref_slice %arg3[%add3A_146, %mul3A_2] : memref<26x16384xi32, #tpu.memory_space<hbm>> -> memref<1x512xi32, #tpu.memory_space<hbm>>
        %dma_start3A_224 = tpu.memref_squeeze %dma_start3A_223 : memref<1x512xi32, #tpu.memory_space<hbm>> -> memref<512xi32, #tpu.memory_space<hbm>>
        %dma_start3A_225 = arith.constant 0 : i32
        %dma_start3A_226 = tpu.memref_slice %arg5[%rem3A_147, %dma_start3A_225] : memref<2x512xi32, #tpu.memory_space<vmem>> -> memref<1x512xi32, #tpu.memory_space<vmem>>
        %dma_start3A_227 = tpu.memref_squeeze %dma_start3A_226 : memref<1x512xi32, #tpu.memory_space<vmem>> -> memref<512xi32, #tpu.memory_space<vmem>>
        %dma_start3A_228 = tpu.memref_slice %arg3[%add3A_146, %mul3A_2] : memref<26x16384xi32, #tpu.memory_space<hbm>> -> memref<1x512xi32, #tpu.memory_space<hbm>>
        %dma_start3A_229 = tpu.memref_squeeze %dma_start3A_228 : memref<1x512xi32, #tpu.memory_space<hbm>> -> memref<512xi32, #tpu.memory_space<hbm>>
        tpu.enqueue_dma source(%dma_start3A_229 : memref<512xi32, #tpu.memory_space<hbm>>) target(%dma_start3A_227 : memref<512xi32, #tpu.memory_space<vmem>>) target_semaphore(%run_scoped3A : memref<!tpu.dma_semaphore, #tpu.memory_space<semaphore_mem>>)
        %dma_wait3A_230 = arith.constant 0 : i32
        %dma_wait3A_231 = tpu.memref_slice %arg5[%rem3A_147, %dma_wait3A_230] : memref<2x512xi32, #tpu.memory_space<vmem>> -> memref<1x512xi32, #tpu.memory_space<vmem>>
        %dma_wait3A_232 = tpu.memref_squeeze %dma_wait3A_231 : memref<1x512xi32, #tpu.memory_space<vmem>> -> memref<512xi32, #tpu.memory_space<vmem>>
        %dma_wait3A_233 = tpu.memref_slice %arg3[%add3A_146, %mul3A_2] : memref<26x16384xi32, #tpu.memory_space<hbm>> -> memref<1x512xi32, #tpu.memory_space<hbm>>
        %dma_wait3A_234 = tpu.memref_squeeze %dma_wait3A_233 : memref<1x512xi32, #tpu.memory_space<hbm>> -> memref<512xi32, #tpu.memory_space<hbm>>
        %dma_wait3A_235 = arith.constant 0 : i32
        %dma_wait3A_236 = tpu.memref_slice %arg5[%rem3A_147, %dma_wait3A_235] : memref<2x512xi32, #tpu.memory_space<vmem>> -> memref<1x512xi32, #tpu.memory_space<vmem>>
        %dma_wait3A_237 = tpu.memref_squeeze %dma_wait3A_236 : memref<1x512xi32, #tpu.memory_space<vmem>> -> memref<512xi32, #tpu.memory_space<vmem>>
        %dma_wait3A_238 = tpu.memref_slice %arg3[%add3A_146, %mul3A_2] : memref<26x16384xi32, #tpu.memory_space<hbm>> -> memref<1x512xi32, #tpu.memory_space<hbm>>
        %dma_wait3A_239 = tpu.memref_squeeze %dma_wait3A_238 : memref<1x512xi32, #tpu.memory_space<hbm>> -> memref<512xi32, #tpu.memory_space<hbm>>
        tpu.wait_dma2 semaphore(%run_scoped3A : memref<!tpu.dma_semaphore, #tpu.memory_space<semaphore_mem>>) src(%dma_wait3A_239 : memref<512xi32, #tpu.memory_space<hbm>>) dst(%dma_wait3A_237 : memref<512xi32, #tpu.memory_space<vmem>>)
        tpu.yield
      }) : () -> ()
      %dma_start3A_151 = arith.constant 0 : i32
      %dma_start3A_152 = arith.constant 0 : i32
      %dma_start3A_153 = tpu.memref_slice %arg6[%rem3A_147, %dma_start3A_151, %dma_start3A_152] : memref<2x512x32xf32, #tpu.memory_space<vmem>> -> memref<1x128x32xf32, #tpu.memory_space<vmem>>
      %dma_start3A_154 = tpu.memref_squeeze %dma_start3A_153 : memref<1x128x32xf32, #tpu.memory_space<vmem>> -> memref<128x32xf32, #tpu.memory_space<vmem>>
      %dma_start3A_155 = arith.constant 0 : i32
      %dma_start3A_156 = tpu.memref_slice %arg5[%rem3A_147, %dma_start3A_155] : memref<2x512xi32, #tpu.memory_space<vmem>> -> memref<1x128xi32, #tpu.memory_space<vmem>>
      %dma_start3A_157 = tpu.memref_squeeze %dma_start3A_156 : memref<1x128xi32, #tpu.memory_space<vmem>> -> memref<128xi32, #tpu.memory_space<vmem>>
      %dma_start3A_158 = arith.constant 0 : i32
      %dma_start3A_159 = arith.constant 0 : i32
      %dma_start3A_160 = tpu.memref_slice %arg2[%add3A_146, %dma_start3A_158, %dma_start3A_159] : memref<26x100000x32xf32, #tpu.memory_space<hbm>> -> memref<1x100000x32xf32, #tpu.memory_space<hbm>>
      %dma_start3A_161 = tpu.memref_squeeze %dma_start3A_160 : memref<1x100000x32xf32, #tpu.memory_space<hbm>> -> memref<100000x32xf32, #tpu.memory_space<hbm>>
      %dma_start3A_162 = arith.constant 0 : i32
      %dma_start3A_163 = arith.constant 0 : i32
      %dma_start3A_164 = tpu.memref_slice %dma_start3A_161[%dma_start3A_162, %dma_start3A_163] : memref<100000x32xf32, #tpu.memory_space<hbm>> -> memref<100000x32xf32, #tpu.memory_space<hbm>>
      %dma_start3A_165 = tpu.memref_slice %arg7[%rem3A_147] : memref<2x!tpu.dma_semaphore, #tpu.memory_space<semaphore_mem>> -> memref<1x!tpu.dma_semaphore, #tpu.memory_space<semaphore_mem>>
      %dma_start3A_166 = tpu.memref_squeeze %dma_start3A_165 : memref<1x!tpu.dma_semaphore, #tpu.memory_space<semaphore_mem>> -> memref<!tpu.dma_semaphore, #tpu.memory_space<semaphore_mem>>
      tpu.enqueue_indirect_dma source(%dma_start3A_164 : memref<100000x32xf32, #tpu.memory_space<hbm>>) target(%dma_start3A_154 : memref<128x32xf32, #tpu.memory_space<vmem>>) offsets(%dma_start3A_157 : memref<128xi32, #tpu.memory_space<vmem>>) semaphore(%dma_start3A_166 : memref<!tpu.dma_semaphore, #tpu.memory_space<semaphore_mem>>)
      %dma_start3A_167 = arith.constant 128 : i32
      %dma_start3A_168 = arith.constant 0 : i32
      %dma_start3A_169 = tpu.memref_slice %arg6[%rem3A_147, %dma_start3A_167, %dma_start3A_168] : memref<2x512x32xf32, #tpu.memory_space<vmem>> -> memref<1x128x32xf32, #tpu.memory_space<vmem>>
      %dma_start3A_170 = tpu.memref_squeeze %dma_start3A_169 : memref<1x128x32xf32, #tpu.memory_space<vmem>> -> memref<128x32xf32, #tpu.memory_space<vmem>>
      %dma_start3A_171 = arith.constant 128 : i32
      %dma_start3A_172 = tpu.memref_slice %arg5[%rem3A_147, %dma_start3A_171] : memref<2x512xi32, #tpu.memory_space<vmem>> -> memref<1x128xi32, #tpu.memory_space<vmem>>
      %dma_start3A_173 = tpu.memref_squeeze %dma_start3A_172 : memref<1x128xi32, #tpu.memory_space<vmem>> -> memref<128xi32, #tpu.memory_space<vmem>>
      %dma_start3A_174 = arith.constant 0 : i32
      %dma_start3A_175 = arith.constant 0 : i32
      %dma_start3A_176 = tpu.memref_slice %arg2[%add3A_146, %dma_start3A_174, %dma_start3A_175] : memref<26x100000x32xf32, #tpu.memory_space<hbm>> -> memref<1x100000x32xf32, #tpu.memory_space<hbm>>
      %dma_start3A_177 = tpu.memref_squeeze %dma_start3A_176 : memref<1x100000x32xf32, #tpu.memory_space<hbm>> -> memref<100000x32xf32, #tpu.memory_space<hbm>>
      %dma_start3A_178 = arith.constant 0 : i32
      %dma_start3A_179 = arith.constant 0 : i32
      %dma_start3A_180 = tpu.memref_slice %dma_start3A_177[%dma_start3A_178, %dma_start3A_179] : memref<100000x32xf32, #tpu.memory_space<hbm>> -> memref<100000x32xf32, #tpu.memory_space<hbm>>
      %dma_start3A_181 = tpu.memref_slice %arg7[%rem3A_147] : memref<2x!tpu.dma_semaphore, #tpu.memory_space<semaphore_mem>> -> memref<1x!tpu.dma_semaphore, #tpu.memory_space<semaphore_mem>>
      %dma_start3A_182 = tpu.memref_squeeze %dma_start3A_181 : memref<1x!tpu.dma_semaphore, #tpu.memory_space<semaphore_mem>> -> memref<!tpu.dma_semaphore, #tpu.memory_space<semaphore_mem>>
      tpu.enqueue_indirect_dma source(%dma_start3A_180 : memref<100000x32xf32, #tpu.memory_space<hbm>>) target(%dma_start3A_170 : memref<128x32xf32, #tpu.memory_space<vmem>>) offsets(%dma_start3A_173 : memref<128xi32, #tpu.memory_space<vmem>>) semaphore(%dma_start3A_182 : memref<!tpu.dma_semaphore, #tpu.memory_space<semaphore_mem>>)
      %dma_start3A_183 = arith.constant 256 : i32
      %dma_start3A_184 = arith.constant 0 : i32
      %dma_start3A_185 = tpu.memref_slice %arg6[%rem3A_147, %dma_start3A_183, %dma_start3A_184] : memref<2x512x32xf32, #tpu.memory_space<vmem>> -> memref<1x128x32xf32, #tpu.memory_space<vmem>>
      %dma_start3A_186 = tpu.memref_squeeze %dma_start3A_185 : memref<1x128x32xf32, #tpu.memory_space<vmem>> -> memref<128x32xf32, #tpu.memory_space<vmem>>
      %dma_start3A_187 = arith.constant 256 : i32
      %dma_start3A_188 = tpu.memref_slice %arg5[%rem3A_147, %dma_start3A_187] : memref<2x512xi32, #tpu.memory_space<vmem>> -> memref<1x128xi32, #tpu.memory_space<vmem>>
      %dma_start3A_189 = tpu.memref_squeeze %dma_start3A_188 : memref<1x128xi32, #tpu.memory_space<vmem>> -> memref<128xi32, #tpu.memory_space<vmem>>
      %dma_start3A_190 = arith.constant 0 : i32
      %dma_start3A_191 = arith.constant 0 : i32
      %dma_start3A_192 = tpu.memref_slice %arg2[%add3A_146, %dma_start3A_190, %dma_start3A_191] : memref<26x100000x32xf32, #tpu.memory_space<hbm>> -> memref<1x100000x32xf32, #tpu.memory_space<hbm>>
      %dma_start3A_193 = tpu.memref_squeeze %dma_start3A_192 : memref<1x100000x32xf32, #tpu.memory_space<hbm>> -> memref<100000x32xf32, #tpu.memory_space<hbm>>
      %dma_start3A_194 = arith.constant 0 : i32
      %dma_start3A_195 = arith.constant 0 : i32
      %dma_start3A_196 = tpu.memref_slice %dma_start3A_193[%dma_start3A_194, %dma_start3A_195] : memref<100000x32xf32, #tpu.memory_space<hbm>> -> memref<100000x32xf32, #tpu.memory_space<hbm>>
      %dma_start3A_197 = tpu.memref_slice %arg7[%rem3A_147] : memref<2x!tpu.dma_semaphore, #tpu.memory_space<semaphore_mem>> -> memref<1x!tpu.dma_semaphore, #tpu.memory_space<semaphore_mem>>
      %dma_start3A_198 = tpu.memref_squeeze %dma_start3A_197 : memref<1x!tpu.dma_semaphore, #tpu.memory_space<semaphore_mem>> -> memref<!tpu.dma_semaphore, #tpu.memory_space<semaphore_mem>>
      tpu.enqueue_indirect_dma source(%dma_start3A_196 : memref<100000x32xf32, #tpu.memory_space<hbm>>) target(%dma_start3A_186 : memref<128x32xf32, #tpu.memory_space<vmem>>) offsets(%dma_start3A_189 : memref<128xi32, #tpu.memory_space<vmem>>) semaphore(%dma_start3A_198 : memref<!tpu.dma_semaphore, #tpu.memory_space<semaphore_mem>>)
      %dma_start3A_199 = arith.constant 384 : i32
      %dma_start3A_200 = arith.constant 0 : i32
      %dma_start3A_201 = tpu.memref_slice %arg6[%rem3A_147, %dma_start3A_199, %dma_start3A_200] : memref<2x512x32xf32, #tpu.memory_space<vmem>> -> memref<1x128x32xf32, #tpu.memory_space<vmem>>
      %dma_start3A_202 = tpu.memref_squeeze %dma_start3A_201 : memref<1x128x32xf32, #tpu.memory_space<vmem>> -> memref<128x32xf32, #tpu.memory_space<vmem>>
      %dma_start3A_203 = arith.constant 384 : i32
      %dma_start3A_204 = tpu.memref_slice %arg5[%rem3A_147, %dma_start3A_203] : memref<2x512xi32, #tpu.memory_space<vmem>> -> memref<1x128xi32, #tpu.memory_space<vmem>>
      %dma_start3A_205 = tpu.memref_squeeze %dma_start3A_204 : memref<1x128xi32, #tpu.memory_space<vmem>> -> memref<128xi32, #tpu.memory_space<vmem>>
      %dma_start3A_206 = arith.constant 0 : i32
      %dma_start3A_207 = arith.constant 0 : i32
      %dma_start3A_208 = tpu.memref_slice %arg2[%add3A_146, %dma_start3A_206, %dma_start3A_207] : memref<26x100000x32xf32, #tpu.memory_space<hbm>> -> memref<1x100000x32xf32, #tpu.memory_space<hbm>>
      %dma_start3A_209 = tpu.memref_squeeze %dma_start3A_208 : memref<1x100000x32xf32, #tpu.memory_space<hbm>> -> memref<100000x32xf32, #tpu.memory_space<hbm>>
      %dma_start3A_210 = arith.constant 0 : i32
      %dma_start3A_211 = arith.constant 0 : i32
      %dma_start3A_212 = tpu.memref_slice %dma_start3A_209[%dma_start3A_210, %dma_start3A_211] : memref<100000x32xf32, #tpu.memory_space<hbm>> -> memref<100000x32xf32, #tpu.memory_space<hbm>>
      %dma_start3A_213 = tpu.memref_slice %arg7[%rem3A_147] : memref<2x!tpu.dma_semaphore, #tpu.memory_space<semaphore_mem>> -> memref<1x!tpu.dma_semaphore, #tpu.memory_space<semaphore_mem>>
      %dma_start3A_214 = tpu.memref_squeeze %dma_start3A_213 : memref<1x!tpu.dma_semaphore, #tpu.memory_space<semaphore_mem>> -> memref<!tpu.dma_semaphore, #tpu.memory_space<semaphore_mem>>
      tpu.enqueue_indirect_dma source(%dma_start3A_212 : memref<100000x32xf32, #tpu.memory_space<hbm>>) target(%dma_start3A_202 : memref<128x32xf32, #tpu.memory_space<vmem>>) offsets(%dma_start3A_205 : memref<128xi32, #tpu.memory_space<vmem>>) semaphore(%dma_start3A_214 : memref<!tpu.dma_semaphore, #tpu.memory_space<semaphore_mem>>)
      %ge3A_215 = arith.constant 1 : i32
      %ge3A_216 = arith.cmpi sge, %add3A_146, %ge3A_215 : i32
      %convert_element_type3A_217 = arith.extui %ge3A_216 : i1 to i32
      %cond3A_218 = arith.constant 0 : i32
      %cond3A_219 = arith.cmpi ne, %convert_element_type3A_217, %cond3A_218 : i32
      scf.if %cond3A_219 {
        %sub3A_220 = arith.constant 1 : i32
        %sub3A_221 = arith.subi %add3A_146, %sub3A_220 : i32
        %dma_wait3A_222 = arith.constant 0 : i32
        %dma_wait3A_223 = arith.constant 0 : i32
        %dma_wait3A_224 = tpu.memref_slice %arg6[%sub3A_148, %dma_wait3A_222, %dma_wait3A_223] : memref<2x512x32xf32, #tpu.memory_space<vmem>> -> memref<1x128x32xf32, #tpu.memory_space<vmem>>
        %dma_wait3A_225 = tpu.memref_squeeze %dma_wait3A_224 : memref<1x128x32xf32, #tpu.memory_space<vmem>> -> memref<128x32xf32, #tpu.memory_space<vmem>>
        %dma_wait3A_226 = arith.constant 0 : i32
        %dma_wait3A_227 = tpu.memref_slice %arg5[%sub3A_148, %dma_wait3A_226] : memref<2x512xi32, #tpu.memory_space<vmem>> -> memref<1x128xi32, #tpu.memory_space<vmem>>
        %dma_wait3A_228 = tpu.memref_squeeze %dma_wait3A_227 : memref<1x128xi32, #tpu.memory_space<vmem>> -> memref<128xi32, #tpu.memory_space<vmem>>
        %dma_wait3A_229 = arith.constant 0 : i32
        %dma_wait3A_230 = arith.constant 0 : i32
        %dma_wait3A_231 = tpu.memref_slice %arg2[%sub3A_221, %dma_wait3A_229, %dma_wait3A_230] : memref<26x100000x32xf32, #tpu.memory_space<hbm>> -> memref<1x100000x32xf32, #tpu.memory_space<hbm>>
        %dma_wait3A_232 = tpu.memref_squeeze %dma_wait3A_231 : memref<1x100000x32xf32, #tpu.memory_space<hbm>> -> memref<100000x32xf32, #tpu.memory_space<hbm>>
        %dma_wait3A_233 = arith.constant 0 : i32
        %dma_wait3A_234 = arith.constant 0 : i32
        %dma_wait3A_235 = tpu.memref_slice %dma_wait3A_232[%dma_wait3A_233, %dma_wait3A_234] : memref<100000x32xf32, #tpu.memory_space<hbm>> -> memref<100000x32xf32, #tpu.memory_space<hbm>>
        %dma_wait3A_236 = tpu.memref_slice %arg7[%sub3A_148] : memref<2x!tpu.dma_semaphore, #tpu.memory_space<semaphore_mem>> -> memref<1x!tpu.dma_semaphore, #tpu.memory_space<semaphore_mem>>
        %dma_wait3A_237 = tpu.memref_squeeze %dma_wait3A_236 : memref<1x!tpu.dma_semaphore, #tpu.memory_space<semaphore_mem>> -> memref<!tpu.dma_semaphore, #tpu.memory_space<semaphore_mem>>
        tpu.wait_indirect_dma semaphore(%dma_wait3A_237 : memref<!tpu.dma_semaphore, #tpu.memory_space<semaphore_mem>>) src(%dma_wait3A_235 : memref<100000x32xf32, #tpu.memory_space<hbm>>) dst(%dma_wait3A_225 : memref<128x32xf32, #tpu.memory_space<vmem>>)
        %dma_wait3A_238 = arith.constant 128 : i32
        %dma_wait3A_239 = arith.constant 0 : i32
        %dma_wait3A_240 = tpu.memref_slice %arg6[%sub3A_148, %dma_wait3A_238, %dma_wait3A_239] : memref<2x512x32xf32, #tpu.memory_space<vmem>> -> memref<1x128x32xf32, #tpu.memory_space<vmem>>
        %dma_wait3A_241 = tpu.memref_squeeze %dma_wait3A_240 : memref<1x128x32xf32, #tpu.memory_space<vmem>> -> memref<128x32xf32, #tpu.memory_space<vmem>>
        %dma_wait3A_242 = arith.constant 128 : i32
        %dma_wait3A_243 = tpu.memref_slice %arg5[%sub3A_148, %dma_wait3A_242] : memref<2x512xi32, #tpu.memory_space<vmem>> -> memref<1x128xi32, #tpu.memory_space<vmem>>
        %dma_wait3A_244 = tpu.memref_squeeze %dma_wait3A_243 : memref<1x128xi32, #tpu.memory_space<vmem>> -> memref<128xi32, #tpu.memory_space<vmem>>
        %dma_wait3A_245 = arith.constant 0 : i32
        %dma_wait3A_246 = arith.constant 0 : i32
        %dma_wait3A_247 = tpu.memref_slice %arg2[%sub3A_221, %dma_wait3A_245, %dma_wait3A_246] : memref<26x100000x32xf32, #tpu.memory_space<hbm>> -> memref<1x100000x32xf32, #tpu.memory_space<hbm>>
        %dma_wait3A_248 = tpu.memref_squeeze %dma_wait3A_247 : memref<1x100000x32xf32, #tpu.memory_space<hbm>> -> memref<100000x32xf32, #tpu.memory_space<hbm>>
        %dma_wait3A_249 = arith.constant 0 : i32
        %dma_wait3A_250 = arith.constant 0 : i32
        %dma_wait3A_251 = tpu.memref_slice %dma_wait3A_248[%dma_wait3A_249, %dma_wait3A_250] : memref<100000x32xf32, #tpu.memory_space<hbm>> -> memref<100000x32xf32, #tpu.memory_space<hbm>>
        %dma_wait3A_252 = tpu.memref_slice %arg7[%sub3A_148] : memref<2x!tpu.dma_semaphore, #tpu.memory_space<semaphore_mem>> -> memref<1x!tpu.dma_semaphore, #tpu.memory_space<semaphore_mem>>
        %dma_wait3A_253 = tpu.memref_squeeze %dma_wait3A_252 : memref<1x!tpu.dma_semaphore, #tpu.memory_space<semaphore_mem>> -> memref<!tpu.dma_semaphore, #tpu.memory_space<semaphore_mem>>
        tpu.wait_indirect_dma semaphore(%dma_wait3A_253 : memref<!tpu.dma_semaphore, #tpu.memory_space<semaphore_mem>>) src(%dma_wait3A_251 : memref<100000x32xf32, #tpu.memory_space<hbm>>) dst(%dma_wait3A_241 : memref<128x32xf32, #tpu.memory_space<vmem>>)
        %dma_wait3A_254 = arith.constant 256 : i32
        %dma_wait3A_255 = arith.constant 0 : i32
        %dma_wait3A_256 = tpu.memref_slice %arg6[%sub3A_148, %dma_wait3A_254, %dma_wait3A_255] : memref<2x512x32xf32, #tpu.memory_space<vmem>> -> memref<1x128x32xf32, #tpu.memory_space<vmem>>
        %dma_wait3A_257 = tpu.memref_squeeze %dma_wait3A_256 : memref<1x128x32xf32, #tpu.memory_space<vmem>> -> memref<128x32xf32, #tpu.memory_space<vmem>>
        %dma_wait3A_258 = arith.constant 256 : i32
        %dma_wait3A_259 = tpu.memref_slice %arg5[%sub3A_148, %dma_wait3A_258] : memref<2x512xi32, #tpu.memory_space<vmem>> -> memref<1x128xi32, #tpu.memory_space<vmem>>
        %dma_wait3A_260 = tpu.memref_squeeze %dma_wait3A_259 : memref<1x128xi32, #tpu.memory_space<vmem>> -> memref<128xi32, #tpu.memory_space<vmem>>
        %dma_wait3A_261 = arith.constant 0 : i32
        %dma_wait3A_262 = arith.constant 0 : i32
        %dma_wait3A_263 = tpu.memref_slice %arg2[%sub3A_221, %dma_wait3A_261, %dma_wait3A_262] : memref<26x100000x32xf32, #tpu.memory_space<hbm>> -> memref<1x100000x32xf32, #tpu.memory_space<hbm>>
        %dma_wait3A_264 = tpu.memref_squeeze %dma_wait3A_263 : memref<1x100000x32xf32, #tpu.memory_space<hbm>> -> memref<100000x32xf32, #tpu.memory_space<hbm>>
        %dma_wait3A_265 = arith.constant 0 : i32
        %dma_wait3A_266 = arith.constant 0 : i32
        %dma_wait3A_267 = tpu.memref_slice %dma_wait3A_264[%dma_wait3A_265, %dma_wait3A_266] : memref<100000x32xf32, #tpu.memory_space<hbm>> -> memref<100000x32xf32, #tpu.memory_space<hbm>>
        %dma_wait3A_268 = tpu.memref_slice %arg7[%sub3A_148] : memref<2x!tpu.dma_semaphore, #tpu.memory_space<semaphore_mem>> -> memref<1x!tpu.dma_semaphore, #tpu.memory_space<semaphore_mem>>
        %dma_wait3A_269 = tpu.memref_squeeze %dma_wait3A_268 : memref<1x!tpu.dma_semaphore, #tpu.memory_space<semaphore_mem>> -> memref<!tpu.dma_semaphore, #tpu.memory_space<semaphore_mem>>
        tpu.wait_indirect_dma semaphore(%dma_wait3A_269 : memref<!tpu.dma_semaphore, #tpu.memory_space<semaphore_mem>>) src(%dma_wait3A_267 : memref<100000x32xf32, #tpu.memory_space<hbm>>) dst(%dma_wait3A_257 : memref<128x32xf32, #tpu.memory_space<vmem>>)
        %dma_wait3A_270 = arith.constant 384 : i32
        %dma_wait3A_271 = arith.constant 0 : i32
        %dma_wait3A_272 = tpu.memref_slice %arg6[%sub3A_148, %dma_wait3A_270, %dma_wait3A_271] : memref<2x512x32xf32, #tpu.memory_space<vmem>> -> memref<1x128x32xf32, #tpu.memory_space<vmem>>
        %dma_wait3A_273 = tpu.memref_squeeze %dma_wait3A_272 : memref<1x128x32xf32, #tpu.memory_space<vmem>> -> memref<128x32xf32, #tpu.memory_space<vmem>>
        %dma_wait3A_274 = arith.constant 384 : i32
        %dma_wait3A_275 = tpu.memref_slice %arg5[%sub3A_148, %dma_wait3A_274] : memref<2x512xi32, #tpu.memory_space<vmem>> -> memref<1x128xi32, #tpu.memory_space<vmem>>
        %dma_wait3A_276 = tpu.memref_squeeze %dma_wait3A_275 : memref<1x128xi32, #tpu.memory_space<vmem>> -> memref<128xi32, #tpu.memory_space<vmem>>
        %dma_wait3A_277 = arith.constant 0 : i32
        %dma_wait3A_278 = arith.constant 0 : i32
        %dma_wait3A_279 = tpu.memref_slice %arg2[%sub3A_221, %dma_wait3A_277, %dma_wait3A_278] : memref<26x100000x32xf32, #tpu.memory_space<hbm>> -> memref<1x100000x32xf32, #tpu.memory_space<hbm>>
        %dma_wait3A_280 = tpu.memref_squeeze %dma_wait3A_279 : memref<1x100000x32xf32, #tpu.memory_space<hbm>> -> memref<100000x32xf32, #tpu.memory_space<hbm>>
        %dma_wait3A_281 = arith.constant 0 : i32
        %dma_wait3A_282 = arith.constant 0 : i32
        %dma_wait3A_283 = tpu.memref_slice %dma_wait3A_280[%dma_wait3A_281, %dma_wait3A_282] : memref<100000x32xf32, #tpu.memory_space<hbm>> -> memref<100000x32xf32, #tpu.memory_space<hbm>>
        %dma_wait3A_284 = tpu.memref_slice %arg7[%sub3A_148] : memref<2x!tpu.dma_semaphore, #tpu.memory_space<semaphore_mem>> -> memref<1x!tpu.dma_semaphore, #tpu.memory_space<semaphore_mem>>
        %dma_wait3A_285 = tpu.memref_squeeze %dma_wait3A_284 : memref<1x!tpu.dma_semaphore, #tpu.memory_space<semaphore_mem>> -> memref<!tpu.dma_semaphore, #tpu.memory_space<semaphore_mem>>
        tpu.wait_indirect_dma semaphore(%dma_wait3A_285 : memref<!tpu.dma_semaphore, #tpu.memory_space<semaphore_mem>>) src(%dma_wait3A_283 : memref<100000x32xf32, #tpu.memory_space<hbm>>) dst(%dma_wait3A_273 : memref<128x32xf32, #tpu.memory_space<vmem>>)
        %sub3A_286 = arith.constant 1 : i32
        %sub3A_287 = arith.subi %add3A_146, %sub3A_286 : i32
        %dma_start3A_288 = arith.constant 0 : i32
        %dma_start3A_289 = arith.constant 0 : i32
        %dma_start3A_290 = tpu.memref_slice %arg6[%sub3A_148, %dma_start3A_288, %dma_start3A_289] : memref<2x512x32xf32, #tpu.memory_space<vmem>> -> memref<1x512x32xf32, #tpu.memory_space<vmem>>
        %dma_start3A_291 = tpu.memref_squeeze %dma_start3A_290 : memref<1x512x32xf32, #tpu.memory_space<vmem>> -> memref<512x32xf32, #tpu.memory_space<vmem>>
        %dma_start3A_292 = arith.constant 0 : i32
        %dma_start3A_293 = tpu.memref_slice %arg4[%mul3A_2, %sub3A_287, %dma_start3A_292] : memref<16384x26x32xf32, #tpu.memory_space<hbm>> -> memref<512x1x32xf32, #tpu.memory_space<hbm>>
        %dma_start3A_294 = tpu.memref_squeeze %dma_start3A_293 : memref<512x1x32xf32, #tpu.memory_space<hbm>> -> memref<512x32xf32, #tpu.memory_space<hbm>>
        %dma_start3A_295 = tpu.memref_slice %arg8[%sub3A_148] : memref<2x!tpu.dma_semaphore, #tpu.memory_space<semaphore_mem>> -> memref<1x!tpu.dma_semaphore, #tpu.memory_space<semaphore_mem>>
        %dma_start3A_296 = tpu.memref_squeeze %dma_start3A_295 : memref<1x!tpu.dma_semaphore, #tpu.memory_space<semaphore_mem>> -> memref<!tpu.dma_semaphore, #tpu.memory_space<semaphore_mem>>
        %dma_start3A_297 = arith.constant 0 : i32
        %dma_start3A_298 = tpu.memref_slice %arg4[%mul3A_2, %sub3A_287, %dma_start3A_297] : memref<16384x26x32xf32, #tpu.memory_space<hbm>> -> memref<512x1x32xf32, #tpu.memory_space<hbm>>
        %dma_start3A_299 = tpu.memref_squeeze %dma_start3A_298 : memref<512x1x32xf32, #tpu.memory_space<hbm>> -> memref<512x32xf32, #tpu.memory_space<hbm>>
        %dma_start3A_300 = arith.constant 0 : i32
        %dma_start3A_301 = arith.constant 0 : i32
        %dma_start3A_302 = tpu.memref_slice %arg6[%sub3A_148, %dma_start3A_300, %dma_start3A_301] : memref<2x512x32xf32, #tpu.memory_space<vmem>> -> memref<1x512x32xf32, #tpu.memory_space<vmem>>
        %dma_start3A_303 = tpu.memref_squeeze %dma_start3A_302 : memref<1x512x32xf32, #tpu.memory_space<vmem>> -> memref<512x32xf32, #tpu.memory_space<vmem>>
        tpu.enqueue_dma source(%dma_start3A_303 : memref<512x32xf32, #tpu.memory_space<vmem>>) target(%dma_start3A_299 : memref<512x32xf32, #tpu.memory_space<hbm>>) target_semaphore(%dma_start3A_296 : memref<!tpu.dma_semaphore, #tpu.memory_space<semaphore_mem>>)
      } else {
      }
    }
    %scan3A_6 = arith.constant 26 : i32
    %dma_wait3A = arith.constant 25 : i32
    %dma_wait3A_7 = arith.constant 1 : i32
    %dma_wait3A_8 = arith.constant 1 : i32
    %dma_wait3A_9 = arith.constant 1 : i32
    %dma_wait3A_10 = arith.constant 0 : i32
    %dma_wait3A_11 = arith.constant 0 : i32
    %dma_wait3A_12 = tpu.memref_slice %arg6[%dma_wait3A_8, %dma_wait3A_10, %dma_wait3A_11] : memref<2x512x32xf32, #tpu.memory_space<vmem>> -> memref<1x128x32xf32, #tpu.memory_space<vmem>>
    %dma_wait3A_13 = tpu.memref_squeeze %dma_wait3A_12 : memref<1x128x32xf32, #tpu.memory_space<vmem>> -> memref<128x32xf32, #tpu.memory_space<vmem>>
    %dma_wait3A_14 = arith.constant 0 : i32
    %dma_wait3A_15 = tpu.memref_slice %arg5[%dma_wait3A_7, %dma_wait3A_14] : memref<2x512xi32, #tpu.memory_space<vmem>> -> memref<1x128xi32, #tpu.memory_space<vmem>>
    %dma_wait3A_16 = tpu.memref_squeeze %dma_wait3A_15 : memref<1x128xi32, #tpu.memory_space<vmem>> -> memref<128xi32, #tpu.memory_space<vmem>>
    %dma_wait3A_17 = arith.constant 0 : i32
    %dma_wait3A_18 = arith.constant 0 : i32
    %dma_wait3A_19 = tpu.memref_slice %arg2[%dma_wait3A, %dma_wait3A_17, %dma_wait3A_18] : memref<26x100000x32xf32, #tpu.memory_space<hbm>> -> memref<1x100000x32xf32, #tpu.memory_space<hbm>>
    %dma_wait3A_20 = tpu.memref_squeeze %dma_wait3A_19 : memref<1x100000x32xf32, #tpu.memory_space<hbm>> -> memref<100000x32xf32, #tpu.memory_space<hbm>>
    %dma_wait3A_21 = arith.constant 0 : i32
    %dma_wait3A_22 = arith.constant 0 : i32
    %dma_wait3A_23 = tpu.memref_slice %dma_wait3A_20[%dma_wait3A_21, %dma_wait3A_22] : memref<100000x32xf32, #tpu.memory_space<hbm>> -> memref<100000x32xf32, #tpu.memory_space<hbm>>
    %dma_wait3A_24 = tpu.memref_slice %arg7[%dma_wait3A_9] : memref<2x!tpu.dma_semaphore, #tpu.memory_space<semaphore_mem>> -> memref<1x!tpu.dma_semaphore, #tpu.memory_space<semaphore_mem>>
    %dma_wait3A_25 = tpu.memref_squeeze %dma_wait3A_24 : memref<1x!tpu.dma_semaphore, #tpu.memory_space<semaphore_mem>> -> memref<!tpu.dma_semaphore, #tpu.memory_space<semaphore_mem>>
    tpu.wait_indirect_dma semaphore(%dma_wait3A_25 : memref<!tpu.dma_semaphore, #tpu.memory_space<semaphore_mem>>) src(%dma_wait3A_23 : memref<100000x32xf32, #tpu.memory_space<hbm>>) dst(%dma_wait3A_13 : memref<128x32xf32, #tpu.memory_space<vmem>>)
    %dma_wait3A_26 = arith.constant 25 : i32
    %dma_wait3A_27 = arith.constant 1 : i32
    %dma_wait3A_28 = arith.constant 1 : i32
    %dma_wait3A_29 = arith.constant 1 : i32
    %dma_wait3A_30 = arith.constant 128 : i32
    %dma_wait3A_31 = arith.constant 0 : i32
    %dma_wait3A_32 = tpu.memref_slice %arg6[%dma_wait3A_28, %dma_wait3A_30, %dma_wait3A_31] : memref<2x512x32xf32, #tpu.memory_space<vmem>> -> memref<1x128x32xf32, #tpu.memory_space<vmem>>
    %dma_wait3A_33 = tpu.memref_squeeze %dma_wait3A_32 : memref<1x128x32xf32, #tpu.memory_space<vmem>> -> memref<128x32xf32, #tpu.memory_space<vmem>>
    %dma_wait3A_34 = arith.constant 128 : i32
    %dma_wait3A_35 = tpu.memref_slice %arg5[%dma_wait3A_27, %dma_wait3A_34] : memref<2x512xi32, #tpu.memory_space<vmem>> -> memref<1x128xi32, #tpu.memory_space<vmem>>
    %dma_wait3A_36 = tpu.memref_squeeze %dma_wait3A_35 : memref<1x128xi32, #tpu.memory_space<vmem>> -> memref<128xi32, #tpu.memory_space<vmem>>
    %dma_wait3A_37 = arith.constant 0 : i32
    %dma_wait3A_38 = arith.constant 0 : i32
    %dma_wait3A_39 = tpu.memref_slice %arg2[%dma_wait3A_26, %dma_wait3A_37, %dma_wait3A_38] : memref<26x100000x32xf32, #tpu.memory_space<hbm>> -> memref<1x100000x32xf32, #tpu.memory_space<hbm>>
    %dma_wait3A_40 = tpu.memref_squeeze %dma_wait3A_39 : memref<1x100000x32xf32, #tpu.memory_space<hbm>> -> memref<100000x32xf32, #tpu.memory_space<hbm>>
    %dma_wait3A_41 = arith.constant 0 : i32
    %dma_wait3A_42 = arith.constant 0 : i32
    %dma_wait3A_43 = tpu.memref_slice %dma_wait3A_40[%dma_wait3A_41, %dma_wait3A_42] : memref<100000x32xf32, #tpu.memory_space<hbm>> -> memref<100000x32xf32, #tpu.memory_space<hbm>>
    %dma_wait3A_44 = tpu.memref_slice %arg7[%dma_wait3A_29] : memref<2x!tpu.dma_semaphore, #tpu.memory_space<semaphore_mem>> -> memref<1x!tpu.dma_semaphore, #tpu.memory_space<semaphore_mem>>
    %dma_wait3A_45 = tpu.memref_squeeze %dma_wait3A_44 : memref<1x!tpu.dma_semaphore, #tpu.memory_space<semaphore_mem>> -> memref<!tpu.dma_semaphore, #tpu.memory_space<semaphore_mem>>
    tpu.wait_indirect_dma semaphore(%dma_wait3A_45 : memref<!tpu.dma_semaphore, #tpu.memory_space<semaphore_mem>>) src(%dma_wait3A_43 : memref<100000x32xf32, #tpu.memory_space<hbm>>) dst(%dma_wait3A_33 : memref<128x32xf32, #tpu.memory_space<vmem>>)
    %dma_wait3A_46 = arith.constant 25 : i32
    %dma_wait3A_47 = arith.constant 1 : i32
    %dma_wait3A_48 = arith.constant 1 : i32
    %dma_wait3A_49 = arith.constant 1 : i32
    %dma_wait3A_50 = arith.constant 256 : i32
    %dma_wait3A_51 = arith.constant 0 : i32
    %dma_wait3A_52 = tpu.memref_slice %arg6[%dma_wait3A_48, %dma_wait3A_50, %dma_wait3A_51] : memref<2x512x32xf32, #tpu.memory_space<vmem>> -> memref<1x128x32xf32, #tpu.memory_space<vmem>>
    %dma_wait3A_53 = tpu.memref_squeeze %dma_wait3A_52 : memref<1x128x32xf32, #tpu.memory_space<vmem>> -> memref<128x32xf32, #tpu.memory_space<vmem>>
    %dma_wait3A_54 = arith.constant 256 : i32
    %dma_wait3A_55 = tpu.memref_slice %arg5[%dma_wait3A_47, %dma_wait3A_54] : memref<2x512xi32, #tpu.memory_space<vmem>> -> memref<1x128xi32, #tpu.memory_space<vmem>>
    %dma_wait3A_56 = tpu.memref_squeeze %dma_wait3A_55 : memref<1x128xi32, #tpu.memory_space<vmem>> -> memref<128xi32, #tpu.memory_space<vmem>>
    %dma_wait3A_57 = arith.constant 0 : i32
    %dma_wait3A_58 = arith.constant 0 : i32
    %dma_wait3A_59 = tpu.memref_slice %arg2[%dma_wait3A_46, %dma_wait3A_57, %dma_wait3A_58] : memref<26x100000x32xf32, #tpu.memory_space<hbm>> -> memref<1x100000x32xf32, #tpu.memory_space<hbm>>
    %dma_wait3A_60 = tpu.memref_squeeze %dma_wait3A_59 : memref<1x100000x32xf32, #tpu.memory_space<hbm>> -> memref<100000x32xf32, #tpu.memory_space<hbm>>
    %dma_wait3A_61 = arith.constant 0 : i32
    %dma_wait3A_62 = arith.constant 0 : i32
    %dma_wait3A_63 = tpu.memref_slice %dma_wait3A_60[%dma_wait3A_61, %dma_wait3A_62] : memref<100000x32xf32, #tpu.memory_space<hbm>> -> memref<100000x32xf32, #tpu.memory_space<hbm>>
    %dma_wait3A_64 = tpu.memref_slice %arg7[%dma_wait3A_49] : memref<2x!tpu.dma_semaphore, #tpu.memory_space<semaphore_mem>> -> memref<1x!tpu.dma_semaphore, #tpu.memory_space<semaphore_mem>>
    %dma_wait3A_65 = tpu.memref_squeeze %dma_wait3A_64 : memref<1x!tpu.dma_semaphore, #tpu.memory_space<semaphore_mem>> -> memref<!tpu.dma_semaphore, #tpu.memory_space<semaphore_mem>>
    tpu.wait_indirect_dma semaphore(%dma_wait3A_65 : memref<!tpu.dma_semaphore, #tpu.memory_space<semaphore_mem>>) src(%dma_wait3A_63 : memref<100000x32xf32, #tpu.memory_space<hbm>>) dst(%dma_wait3A_53 : memref<128x32xf32, #tpu.memory_space<vmem>>)
    %dma_wait3A_66 = arith.constant 25 : i32
    %dma_wait3A_67 = arith.constant 1 : i32
    %dma_wait3A_68 = arith.constant 1 : i32
    %dma_wait3A_69 = arith.constant 1 : i32
    %dma_wait3A_70 = arith.constant 384 : i32
    %dma_wait3A_71 = arith.constant 0 : i32
    %dma_wait3A_72 = tpu.memref_slice %arg6[%dma_wait3A_68, %dma_wait3A_70, %dma_wait3A_71] : memref<2x512x32xf32, #tpu.memory_space<vmem>> -> memref<1x128x32xf32, #tpu.memory_space<vmem>>
    %dma_wait3A_73 = tpu.memref_squeeze %dma_wait3A_72 : memref<1x128x32xf32, #tpu.memory_space<vmem>> -> memref<128x32xf32, #tpu.memory_space<vmem>>
    %dma_wait3A_74 = arith.constant 384 : i32
    %dma_wait3A_75 = tpu.memref_slice %arg5[%dma_wait3A_67, %dma_wait3A_74] : memref<2x512xi32, #tpu.memory_space<vmem>> -> memref<1x128xi32, #tpu.memory_space<vmem>>
    %dma_wait3A_76 = tpu.memref_squeeze %dma_wait3A_75 : memref<1x128xi32, #tpu.memory_space<vmem>> -> memref<128xi32, #tpu.memory_space<vmem>>
    %dma_wait3A_77 = arith.constant 0 : i32
    %dma_wait3A_78 = arith.constant 0 : i32
    %dma_wait3A_79 = tpu.memref_slice %arg2[%dma_wait3A_66, %dma_wait3A_77, %dma_wait3A_78] : memref<26x100000x32xf32, #tpu.memory_space<hbm>> -> memref<1x100000x32xf32, #tpu.memory_space<hbm>>
    %dma_wait3A_80 = tpu.memref_squeeze %dma_wait3A_79 : memref<1x100000x32xf32, #tpu.memory_space<hbm>> -> memref<100000x32xf32, #tpu.memory_space<hbm>>
    %dma_wait3A_81 = arith.constant 0 : i32
    %dma_wait3A_82 = arith.constant 0 : i32
    %dma_wait3A_83 = tpu.memref_slice %dma_wait3A_80[%dma_wait3A_81, %dma_wait3A_82] : memref<100000x32xf32, #tpu.memory_space<hbm>> -> memref<100000x32xf32, #tpu.memory_space<hbm>>
    %dma_wait3A_84 = tpu.memref_slice %arg7[%dma_wait3A_69] : memref<2x!tpu.dma_semaphore, #tpu.memory_space<semaphore_mem>> -> memref<1x!tpu.dma_semaphore, #tpu.memory_space<semaphore_mem>>
    %dma_wait3A_85 = tpu.memref_squeeze %dma_wait3A_84 : memref<1x!tpu.dma_semaphore, #tpu.memory_space<semaphore_mem>> -> memref<!tpu.dma_semaphore, #tpu.memory_space<semaphore_mem>>
    tpu.wait_indirect_dma semaphore(%dma_wait3A_85 : memref<!tpu.dma_semaphore, #tpu.memory_space<semaphore_mem>>) src(%dma_wait3A_83 : memref<100000x32xf32, #tpu.memory_space<hbm>>) dst(%dma_wait3A_73 : memref<128x32xf32, #tpu.memory_space<vmem>>)
    %dma_start3A = arith.constant 1 : i32
    %dma_start3A_86 = arith.constant 25 : i32
    %dma_start3A_87 = arith.constant 1 : i32
    %dma_start3A_88 = arith.constant 0 : i32
    %dma_start3A_89 = arith.constant 0 : i32
    %dma_start3A_90 = tpu.memref_slice %arg6[%dma_start3A, %dma_start3A_88, %dma_start3A_89] : memref<2x512x32xf32, #tpu.memory_space<vmem>> -> memref<1x512x32xf32, #tpu.memory_space<vmem>>
    %dma_start3A_91 = tpu.memref_squeeze %dma_start3A_90 : memref<1x512x32xf32, #tpu.memory_space<vmem>> -> memref<512x32xf32, #tpu.memory_space<vmem>>
    %dma_start3A_92 = arith.constant 0 : i32
    %dma_start3A_93 = tpu.memref_slice %arg4[%mul3A_2, %dma_start3A_86, %dma_start3A_92] : memref<16384x26x32xf32, #tpu.memory_space<hbm>> -> memref<512x1x32xf32, #tpu.memory_space<hbm>>
    %dma_start3A_94 = tpu.memref_squeeze %dma_start3A_93 : memref<512x1x32xf32, #tpu.memory_space<hbm>> -> memref<512x32xf32, #tpu.memory_space<hbm>>
    %dma_start3A_95 = tpu.memref_slice %arg8[%dma_start3A_87] : memref<2x!tpu.dma_semaphore, #tpu.memory_space<semaphore_mem>> -> memref<1x!tpu.dma_semaphore, #tpu.memory_space<semaphore_mem>>
    %dma_start3A_96 = tpu.memref_squeeze %dma_start3A_95 : memref<1x!tpu.dma_semaphore, #tpu.memory_space<semaphore_mem>> -> memref<!tpu.dma_semaphore, #tpu.memory_space<semaphore_mem>>
    %dma_start3A_97 = arith.constant 0 : i32
    %dma_start3A_98 = tpu.memref_slice %arg4[%mul3A_2, %dma_start3A_86, %dma_start3A_97] : memref<16384x26x32xf32, #tpu.memory_space<hbm>> -> memref<512x1x32xf32, #tpu.memory_space<hbm>>
    %dma_start3A_99 = tpu.memref_squeeze %dma_start3A_98 : memref<512x1x32xf32, #tpu.memory_space<hbm>> -> memref<512x32xf32, #tpu.memory_space<hbm>>
    %dma_start3A_100 = arith.constant 0 : i32
    %dma_start3A_101 = arith.constant 0 : i32
    %dma_start3A_102 = tpu.memref_slice %arg6[%dma_start3A, %dma_start3A_100, %dma_start3A_101] : memref<2x512x32xf32, #tpu.memory_space<vmem>> -> memref<1x512x32xf32, #tpu.memory_space<vmem>>
    %dma_start3A_103 = tpu.memref_squeeze %dma_start3A_102 : memref<1x512x32xf32, #tpu.memory_space<vmem>> -> memref<512x32xf32, #tpu.memory_space<vmem>>
    tpu.enqueue_dma source(%dma_start3A_103 : memref<512x32xf32, #tpu.memory_space<vmem>>) target(%dma_start3A_99 : memref<512x32xf32, #tpu.memory_space<hbm>>) target_semaphore(%dma_start3A_96 : memref<!tpu.dma_semaphore, #tpu.memory_space<semaphore_mem>>)
    %dma_wait3A_104 = arith.constant 0 : i32
    %dma_wait3A_105 = arith.constant 24 : i32
    %dma_wait3A_106 = arith.constant 0 : i32
    %dma_wait3A_107 = arith.constant 0 : i32
    %dma_wait3A_108 = arith.constant 0 : i32
    %dma_wait3A_109 = tpu.memref_slice %arg6[%dma_wait3A_104, %dma_wait3A_107, %dma_wait3A_108] : memref<2x512x32xf32, #tpu.memory_space<vmem>> -> memref<1x512x32xf32, #tpu.memory_space<vmem>>
    %dma_wait3A_110 = tpu.memref_squeeze %dma_wait3A_109 : memref<1x512x32xf32, #tpu.memory_space<vmem>> -> memref<512x32xf32, #tpu.memory_space<vmem>>
    %dma_wait3A_111 = arith.constant 0 : i32
    %dma_wait3A_112 = tpu.memref_slice %arg4[%mul3A_2, %dma_wait3A_105, %dma_wait3A_111] : memref<16384x26x32xf32, #tpu.memory_space<hbm>> -> memref<512x1x32xf32, #tpu.memory_space<hbm>>
    %dma_wait3A_113 = tpu.memref_squeeze %dma_wait3A_112 : memref<512x1x32xf32, #tpu.memory_space<hbm>> -> memref<512x32xf32, #tpu.memory_space<hbm>>
    %dma_wait3A_114 = tpu.memref_slice %arg8[%dma_wait3A_106] : memref<2x!tpu.dma_semaphore, #tpu.memory_space<semaphore_mem>> -> memref<1x!tpu.dma_semaphore, #tpu.memory_space<semaphore_mem>>
    %dma_wait3A_115 = tpu.memref_squeeze %dma_wait3A_114 : memref<1x!tpu.dma_semaphore, #tpu.memory_space<semaphore_mem>> -> memref<!tpu.dma_semaphore, #tpu.memory_space<semaphore_mem>>
    %dma_wait3A_116 = arith.constant 0 : i32
    %dma_wait3A_117 = tpu.memref_slice %arg4[%mul3A_2, %dma_wait3A_105, %dma_wait3A_116] : memref<16384x26x32xf32, #tpu.memory_space<hbm>> -> memref<512x1x32xf32, #tpu.memory_space<hbm>>
    %dma_wait3A_118 = tpu.memref_squeeze %dma_wait3A_117 : memref<512x1x32xf32, #tpu.memory_space<hbm>> -> memref<512x32xf32, #tpu.memory_space<hbm>>
    %dma_wait3A_119 = arith.constant 0 : i32
    %dma_wait3A_120 = arith.constant 0 : i32
    %dma_wait3A_121 = tpu.memref_slice %arg6[%dma_wait3A_104, %dma_wait3A_119, %dma_wait3A_120] : memref<2x512x32xf32, #tpu.memory_space<vmem>> -> memref<1x512x32xf32, #tpu.memory_space<vmem>>
    %dma_wait3A_122 = tpu.memref_squeeze %dma_wait3A_121 : memref<1x512x32xf32, #tpu.memory_space<vmem>> -> memref<512x32xf32, #tpu.memory_space<vmem>>
    tpu.wait_dma2 semaphore(%dma_wait3A_115 : memref<!tpu.dma_semaphore, #tpu.memory_space<semaphore_mem>>) src(%dma_wait3A_122 : memref<512x32xf32, #tpu.memory_space<vmem>>) dst(%dma_wait3A_118 : memref<512x32xf32, #tpu.memory_space<hbm>>)
    %dma_wait3A_123 = arith.constant 1 : i32
    %dma_wait3A_124 = arith.constant 25 : i32
    %dma_wait3A_125 = arith.constant 1 : i32
    %dma_wait3A_126 = arith.constant 0 : i32
    %dma_wait3A_127 = arith.constant 0 : i32
    %dma_wait3A_128 = tpu.memref_slice %arg6[%dma_wait3A_123, %dma_wait3A_126, %dma_wait3A_127] : memref<2x512x32xf32, #tpu.memory_space<vmem>> -> memref<1x512x32xf32, #tpu.memory_space<vmem>>
    %dma_wait3A_129 = tpu.memref_squeeze %dma_wait3A_128 : memref<1x512x32xf32, #tpu.memory_space<vmem>> -> memref<512x32xf32, #tpu.memory_space<vmem>>
    %dma_wait3A_130 = arith.constant 0 : i32
    %dma_wait3A_131 = tpu.memref_slice %arg4[%mul3A_2, %dma_wait3A_124, %dma_wait3A_130] : memref<16384x26x32xf32, #tpu.memory_space<hbm>> -> memref<512x1x32xf32, #tpu.memory_space<hbm>>
    %dma_wait3A_132 = tpu.memref_squeeze %dma_wait3A_131 : memref<512x1x32xf32, #tpu.memory_space<hbm>> -> memref<512x32xf32, #tpu.memory_space<hbm>>
    %dma_wait3A_133 = tpu.memref_slice %arg8[%dma_wait3A_125] : memref<2x!tpu.dma_semaphore, #tpu.memory_space<semaphore_mem>> -> memref<1x!tpu.dma_semaphore, #tpu.memory_space<semaphore_mem>>
    %dma_wait3A_134 = tpu.memref_squeeze %dma_wait3A_133 : memref<1x!tpu.dma_semaphore, #tpu.memory_space<semaphore_mem>> -> memref<!tpu.dma_semaphore, #tpu.memory_space<semaphore_mem>>
    %dma_wait3A_135 = arith.constant 0 : i32
    %dma_wait3A_136 = tpu.memref_slice %arg4[%mul3A_2, %dma_wait3A_124, %dma_wait3A_135] : memref<16384x26x32xf32, #tpu.memory_space<hbm>> -> memref<512x1x32xf32, #tpu.memory_space<hbm>>
    %dma_wait3A_137 = tpu.memref_squeeze %dma_wait3A_136 : memref<512x1x32xf32, #tpu.memory_space<hbm>> -> memref<512x32xf32, #tpu.memory_space<hbm>>
    %dma_wait3A_138 = arith.constant 0 : i32
    %dma_wait3A_139 = arith.constant 0 : i32
    %dma_wait3A_140 = tpu.memref_slice %arg6[%dma_wait3A_123, %dma_wait3A_138, %dma_wait3A_139] : memref<2x512x32xf32, #tpu.memory_space<vmem>> -> memref<1x512x32xf32, #tpu.memory_space<vmem>>
    %dma_wait3A_141 = tpu.memref_squeeze %dma_wait3A_140 : memref<1x512x32xf32, #tpu.memory_space<vmem>> -> memref<512x32xf32, #tpu.memory_space<vmem>>
    tpu.wait_dma2 semaphore(%dma_wait3A_134 : memref<!tpu.dma_semaphore, #tpu.memory_space<semaphore_mem>>) src(%dma_wait3A_141 : memref<512x32xf32, #tpu.memory_space<vmem>>) dst(%dma_wait3A_137 : memref<512x32xf32, #tpu.memory_space<hbm>>)
    return
  }
}

</mosaic_0001>

<sc_bundles>
// kernel: kernel.3.cloned.1.call-start
scs
__scs_entry_jumppad:
0x0: {  	(pc) =	sbr.rel $0x88, $3  }
0x1: {  	(tag) =	ssettag $0x0;
	lr =	simm.s32 $0x1  }
0x2: {  	[smem:$0x3F9F] =	sst lr;
	_ =	strace $0xD0000000  }
0x3: {  	_ = 	snop  }
0x4: {  	_ = 	snop  }
0x5: {  	_ = 	snop  }
0x6: {  	_ = 	snop  }
0x7: {  	_ = 	snop  }
__scs_overlays_trampoline_lowered:
0x8: {  	[smem:$0x3FAE] =	sst s0  }
0x9: {  	[smem:$0x3FAF] =	sst s1  }
0xa: {  	[smem:$0x3FB0] =	sst s2  }
0xb: {  	[smem:$0x3FB1] =	sst s3  }
0xc: {  	[smem:$0x3FB2] =	sst s4  }
0xd: {  	[smem:$0x3FB3] =	sst s5  }
0xe: {  	[smem:$0x3FB4] =	sst s6  }
0xf: {  	[smem:$0x3FB5] =	sst s7  }
0x10: {  	[smem:$0x3FB6] =	sst s8  }
0x11: {  	[smem:$0x3FB7] =	sst s9;
	s0 =	simm.s32 @!p0 $0x0  }
0x12: {  	s1 =	sld [smem:$0x3F9D];
	s0 =	simm.s32 @p0 $0x1  }
0x13: {  	[smem:$0x3FB8] =	sst s0;
	s0 =	simm.s32 @!p1 $0x0  }
0x14: {  	s2 =	sld [smem:$0x3F9C];
	s0 =	simm.s32 @p1 $0x1  }
0x15: {  	[smem:$0x3FB9] =	sst s0;
	s0 =	simm.s32 @!p2 $0x0  }
0x16: {  	s3 =	sld [smem:$0x3FDB];
	s0 =	simm.s32 @p2 $0x1  }
0x17: {  	s4 =	simm.s32 $0x1BF5;
	[smem:$0x3FBB] =	sst s0  }
0x18: {  	s0 =	sld [smem:$0x3F9E];
	_ =	swait.ge [sflag:s4], $0x0  }
0x19: {  	s7 =	sld [smem:$0x3F9F]  }
0x1a: {  	s8 =	sadd.s32 $0xFFFFE003, lr  }
0x1b: {  	s9 =	sadd.s32 $0xFFFFFEF7, lr;
	s5 =	simm.s32 $0xFFFFFFFF;
	p2 =	slt.u32 s8, $0xFFFFF086  }
0x1c: {  	p1 =	slt.u32 s9, $0xF7A;
	s5 =	simm.s32 @!p2 $0x0  }
0x1d: {  	s5 =	simm.s32 @p1 $0x1;
	p0 =	seq.s32 s7, s2  }
0x1e: {  	s7 =	smul.u32 @!p0 $0xF7A, s2;
	p2 =	seq.s32 @!p0 s5, $0x0  }
0x1f: {  	s9 =	smul.u32 $0xF7A, s1;
	s8 =	simm.s32 @!p0 $0x1BF5;
	p2 =	por !p2, p0  }
0x20: {  	[sflag:s8] =	ssyncset.s32 @!p0 $0xFFFFF086;
	s6 =	sadd.s32 @!p0 s3, s7;
	s7 =	simm.s32 @!p0 $0x108  }
0x21: {  	s3 =	sadd.s32 s3, s9;
	s6 =	sadd.s32 @!p0 $0x88, s6;
	s7 =	simm.s32 @p2 $0x1082  }
0x22: {  	[simem:s7], [sflag:s8] =	dma.local @!p0 [hbm:s6], $0xF7A  }
0x23: {  	s9 =	sor.u32 $0xD0000000, s2;
	s6 =	simm.s32 $0x108;
	_ =	swait.ge @!p0 [sflag:s8], $0x0  }
0x24: {  	s3 =	sadd.s32 $0x88, s3;
	s6 =	simm.s32 @!p1 $0x1082;
	[sflag:s4] =	ssyncset.s32 $0xFFFFF086  }
0x25: {  	[simem:s6], [sflag:s4] =	dma.local [hbm:s3], $0xF7A  }
0x26: {  	[smem:$0x3F9F] =	sst s1;
	(tag) =	ssettag s2;
	_ =	strace s9  }
0x27: {  	s1 =	sld [smem:$0x3FAF]  }
0x28: {  	s2 =	sld [smem:$0x3FB0]  }
0x29: {  	s4 =	sld [smem:$0x3FB2]  }
0x2a: {  	p0 =	seq.s32 s5, $0x0;
	s5 =	sld [smem:$0x3FB3]  }
0x2b: {  	s6 =	sld [smem:$0x3FB4]  }
0x2c: {  	s7 =	sld [smem:$0x3FB5]  }
0x2d: {  	s3 =	simm.s32 $0x108;
	s8 =	sld [smem:$0x3FB6]  }
0x2e: {  	s3 =	simm.s32 @!p0 $0x1082;
	s9 =	sld [smem:$0x3FB7]  }
0x2f: {  	lr =	sadd.s32 s0, s3;
	s0 =	sld [smem:$0x3FAE]  }
0x30: {  	s3 =	sld [smem:$0x3FB1]  }
0x31: {  	[smem:$0x3FBA] =	sst s10  }
0x32: {  	s10 =	sld [smem:$0x3FB8];
	_ =	sdelay $0x3  }
0x33: {  	p0 =	seq.s32 s10, $0x1;
	s10 =	sld [smem:$0x3FBA];
	_ =	sdelay $0x3  }
0x34: {  	[smem:$0x3FBA] =	sst s10  }
0x35: {  	s10 =	sld [smem:$0x3FB9];
	_ =	sdelay $0x3  }
0x36: {  	p1 =	seq.s32 s10, $0x1;
	s10 =	sld [smem:$0x3FBA];
	_ =	sdelay $0x3  }
0x37: {  	[smem:$0x3FBA] =	sst s10  }
0x38: {  	s10 =	sld [smem:$0x3FBB]  }
0x39: {  	_ = 	snop;
	(pc) =	sbr.ind lr, $3  }
0x3a: {  	_ = 	snop  }
0x3b: {  	_ = 	snop  }
0x3c: {  	p2 =	seq.s32 s10, $0x1;
	s10 =	sld [smem:$0x3FBA]  }
0x3d: {  	_ =	shalt  }
0x3e: {  	_ =	shalt  }
0x3f: {  	_ =	shalt  }
0x40: {  	_ =	shalt  }
0x41: {  	_ =	shalt  }
0x42: {  	_ =	shalt  }
0x43: {  	_ =	shalt  }
0x44: {  	_ =	shalt  }
0x45: {  	_ =	shalt  }
0x46: {  	_ =	shalt  }
0x47: {  	_ =	shalt  }
0x48: {  	_ =	shalt  }
0x49: {  	_ =	shalt  }
0x4a: {  	_ =	shalt  }
0x4b: {  	_ =	shalt  }
0x4c: {  	_ =	shalt  }
0x4d: {  	_ =	shalt  }
0x4e: {  	_ =	shalt  }
0x4f: {  	_ =	shalt  }
0x50: {  	_ =	shalt  }
0x51: {  	_ =	shalt  }
0x52: {  	_ =	shalt  }
0x53: {  	_ =	shalt  }
0x54: {  	_ =	shalt  }
0x55: {  	_ =	shalt  }
0x56: {  	_ =	shalt  }
0x57: {  	_ =	shalt  }
0x58: {  	_ =	shalt  }
0x59: {  	_ =	shalt  }
0x5a: {  	_ =	shalt  }
0x5b: {  	_ =	shalt  }
0x5c: {  	_ =	shalt  }
0x5d: {  	_ =	shalt  }
0x5e: {  	_ =	shalt  }
0x5f: {  	_ =	shalt  }
0x60: {  	_ =	shalt  }
0x61: {  	_ =	shalt  }
0x62: {  	_ =	shalt  }
0x63: {  	_ =	shalt  }
0x64: {  	_ =	shalt  }
0x65: {  	_ =	shalt  }
0x66: {  	_ =	shalt  }
0x67: {  	_ =	shalt  }
0x68: {  	_ =	shalt  }
0x69: {  	_ =	shalt  }
0x6a: {  	_ =	shalt  }
0x6b: {  	_ =	shalt  }
0x6c: {  	_ =	shalt  }
0x6d: {  	_ =	shalt  }
0x6e: {  	_ =	shalt  }
0x6f: {  	_ =	shalt  }
0x70: {  	_ =	shalt  }
0x71: {  	_ =	shalt  }
0x72: {  	_ =	shalt  }
0x73: {  	_ =	shalt  }
0x74: {  	_ =	shalt  }
0x75: {  	_ =	shalt  }
0x76: {  	_ =	shalt  }
0x77: {  	_ =	shalt  }
0x78: {  	_ =	shalt  }
0x79: {  	_ =	shalt  }
0x7a: {  	_ =	shalt  }
0x7b: {  	_ =	shalt  }
0x7c: {  	_ =	shalt  }
0x7d: {  	_ =	shalt  }
0x7e: {  	_ =	shalt  }
0x7f: {  	_ =	shalt  }
0x80: {  	_ =	shalt  }
0x81: {  	_ =	shalt  }
0x82: {  	_ =	shalt  }
0x83: {  	_ =	shalt  }
0x84: {  	_ =	shalt  }
0x85: {  	_ =	shalt  }
0x86: {  	_ =	shalt  }
0x87: {  	_ =	shalt  }
.Lfunc_end0:
.L_simem_size_0:
called_computation.1_lowered:
.L_overlay_start_0:
0x88: {  	s2 =	sld [smem:$0x3FD9]  }
0x89: {  	s3 =	sld [smem:$0x3FFE];
	_ =	sdelay $0x1  }
0x8a: {  	s1 =	srdreg.scid  }
0x8b: {  	s0 =	sand.u32 $0x1, s1  }
0x8c: {  	s17 =	sshll.u32 s0, $0xA;
	s2 =	sadd.s32 s3, s2  }
0x8d: {  	s2 =	sadd.s32 s2, s17  }
0x8e: {  	[smem:$0x3FC6] =	sst s2  }
0x8f: {  	_ = 	snop  }
0x90: {  	s2 =	sld [smem:$0x3FD0];
	(tm) =	ssettm $0x1  }
0x91: {  	s18 =	sld [smem:$0x3FFB];
	_ =	sdelay $0x3  }
0x92: {  	_ =	strace s18  }
0x93: {  	s3 =	sld [smem:$0x3FFC];
	_ =	sdelay $0x3  }
0x94: {  	_ =	strace s3  }
0x95: {  	s3 =	sld [smem:$0x3FFD];
	_ =	sdelay $0x3  }
0x96: {  	_ =	strace s3  }
0x97: {  	_ =	strace $0x8FFFFFFF  }
0x98: {  	s19 =	sld [smem:$0x3FDB];
	_ =	sdelay $0x1  }
0x99: {  	s4 =	simm.s32 $_scs_section_size  }
0x9a: {  	s5 =	simm.s32 $_size__tile_overlayer_lowered;
	s6 =	simm.s32 $_tile_overlayer_lowered  }
0x9b: {  	s22 =	simm.s32 $0x1BFF;
	s21 =	sshll.u32 s6, $0x1;
	s3 =	sadd.s32 s4, s19  }
0x9c: {  	s7 =	simm.s32 $0x0;
	s20 =	sshll.u32 s5, $0x1;
	s5 =	sadd.s32 s21, s3  }
0x9d: {  	[timem:s7], [sflag:s22] =	dma.local [hbm:s5], s20  }
0x9e: {  	_ =	swait.ge [sflag:s22], s20  }
0x9f: {  	s4 =	ssub.s32 $0x0, s20;
	[sflag:s22] =	ssyncset.done $0x0  }
0xa0: {  	[sflag:s22] =	ssyncadd.s32 s4;
	_ =	sdelay $0x1  }
0xa1: {  	s23 =	simm.s32 $0x1B8B  }
0xa2: {  	_ =	swait.ge [sflag:s23], $0x1  }
0xa3: {  	[sflag:s23] =	ssyncset.done $0x0  }
0xa4: {  	s25 =	simm.s32 $0x1B8E;
	s24 =	sld [smem:$0x3FFE];
	[sflag:s23] =	ssyncadd.s32 $0xFFFFFFFF  }
0xa5: {  	s26 =	simm.s32 $execute0_lowered;
	[smem:$0x3FD2] =	sst s25  }
0xa6: {  	s5 =	sshll.u32 s26, $0x1;
	_ =	strace $0x80000046;
	[dreg:$0x1] =	wrdreg $0xFFFFFFFF  }
0xa7: {  	s28 =	simm.s32 $_size_execute0_lowered;
	s3 =	sadd.s32 s3, s5;
	[dreg:$0x0] =	wrdreg $0x0  }
0xa8: {  	s5 =	sshll.u32 s28, $0x1;
	[dreg:$0x2] =	wrdreg s3  }
0xa9: {  	[dreg:$0x3] =	wrdreg s5  }
0xaa: {  	[dreg:$0x4] =	wrdreg $0xC0  }
0xab: {  	_ =	task [dreg:s7], $0x5FFFF  }
0xac: {  	[dreg:$0x1] =	wrdreg $0xFFFFFFFF  }
0xad: {  	[dreg:$0x0] =	wrdreg $0x60  }
0xae: {  	[dreg:$0x2] =	wrdreg s24  }
0xaf: {  	[dreg:$0x3] =	wrdreg s2  }
0xb0: {  	[dreg:$0x4] =	wrdreg $0x9  }
0xb1: {  	_ =	task.clear_ibuf [dreg:s7], $0x5FFFF;
	_ =	strace $0x90000046  }
0xb2: {  	s29 =	simm.s32 $0x9;
	_ =	strace $0x80000048  }
0xb3: {  	_ =	swait.ge [sflag:s29], $0x1  }
0xb4: {  	[sflag:s29] =	ssyncadd.s32 $0xFFFFFFFF  }
0xb5: {  	_ =	strace $0x90000048  }
0xb6: {  	_ =	sfence  }
0xb7: {  	s30 =	sld [smem:$0x0];
	_ =	sdelay $0x2  }
0xb8: {  	s31 =	sshll.u32 s1, $0xD;
	s1 =	sshrl.u32 s1, $0x2  }
0xb9: {  	s3 =	sand.u32 $0x4000, s31;
	s1 =	sadd.s32 s1, s30  }
0xba: {  	s0 =	sor.u32 s3, s0;
	s1 =	sshll.u32 s1, $0x11  }
0xbb: {  	s0 =	sor.u32 s1, s0  }
0xbc: {  	s0 =	sadd.s32 $0x8F2B, s0  }
0xbd: {  	[sflag:s0] =	ssyncadd.remote.s32 $0x1  }
0xbe: {  	_ =	sfence.sel $0xFFFF  }
0xbf: {  	[dreg:$0x0] =	wrdreg $0xFFFFFFFF;
	(pc) =	sbr.abs _section_cstart, $3  }
0xc0: {  	[dreg:$0x1] =	wrdreg $0xFFFFFFFF  }
0xc1: {  	_ =	task.clear_ibuf [dreg:s7], $0x2FFFF;
	_ =	strace $0x9FFFFFFF  }
0xc2: {  	(tm) =	ssettm $0x7FFFFFFF  }
0xc3: {  	_ =	shalt  }
tec
execute0_lowered:
.L_overlay_start_1:
0x0: {  	(tag) =	ssettag $0x1  }
0x1: {  	s0 =	rddreg [dreg:$0x0]  }
0x2: {  	s1 =	rddreg [dreg:$0x1];
	s3 =	srdreg.scid  }
0x3: {  	s2 =	simm.s32 $0x0;
	s9 =	stileid.u32;
	s13 =	simm.s32 $0x5  }
0x4: {  	s14 =	simm.s32 $0x80;
	s30 =	simm.s32 $0x1;
	s31 =	simm.s32 $0x20  }
0x5: {  	s17 =	simm.s32 $0x4;
	s18 =	simm.s32 $0x0;
	s4 =	sand.u32 $0x1, s3  }
0x6: {  	[smem:$0x7FF] =	sst s2;
	s23 =	sshll.u32 s9, $0xA;
	s3 =	sadd.s32 $0x27ACE00, s0  }
0x7: {  	s10 =	sadd.s32 $0xA00, s0;
	s24 =	smul.u32 $0xD0000, s9;
	s12 =	sadd.s32 $0x2870300, s0  }
0x8: {  	s9 =	simm.s32 $0x4400;
	s5 =	sshll.u32 s4, $0x9;
	s6 =	ssub.s32 $0x2, s4  }
0x9: {  	s4 =	smul.u32 $0x68000, s4;
	s5 =	sor.u32 s5, s23;
	s7 =	sshrl.u32 s6, $0x1  }
0xa: {  	_ =	strace $0x80000047;
	s8 =	smul.u32 $0x68, s5;
	s6 =	ssub.s32 s6, s7  }
0xb: {  	s25 =	sshrl.u32 s5, $0x3;
	s11 =	smul.u32 $0x340, s5;
	s4 =	sadd.s32 s4, s24  }
0xc: {  	s5 =	sor.u32 $0x8000, s5;
	s26 =	sadd.s32 s10, s25;
	s6 =	smax.u32 s6, $0x1  }
0xd: {  	s4 =	sor.u32 $0x20, s4;
	s5 =	sshrl.u32 s5, $0x3;
	[dreg:$0x5] =	wrdreg s6  }
0xe: {  	s8 =	sadd.s32 s8, s1;
	[dreg:$0x4] =	wrdreg s26;
	s28 =	sadd.s32 $0x800, s26  }
0xf: {  	s29 =	sshrl.u32 s11, $0x3;
	s4 =	sshrl.u32 s4, $0x3;
	s11 =	sadd.s32 s5, s10  }
0x10: {  	s8 =	sadd.s32 $0x64, s8;
	[dreg:$0x6] =	wrdreg s28;
	s6 =	sadd.s32 s1, s29  }
0x11: {  	s7 =	sadd.s32 s4, s1;
	s1 =	simm.s32 $0x2;
	[dreg:$0x3] =	wrdreg s8  }
0x12: {  	s8 =	sadd.s32 $0x280E880, s0;
	[dreg:$0x7] =	wrdreg s6;
	s0 =	simm.s32 $0x340  }
.LBB2_1:
0x13: {  	s4 =	rddreg [dreg:$0x4]  }
0x14: {  	[tilespmem:s2], [sflag:$0x5] =	stream.linear.gather [hbm4b:s4+s2], $0x200, $0x38;
	[tilespmem:$0x8400] =	vst v63  }
0x15: {  	_ =	swait.ge [sflag:s13], $0x200  }
0x16: {  	[sflag:s13] =	ssyncset.done $0x0  }
0x17: {  	s5 =	simm.s32 $0x400;
	[sflag:s13] =	ssyncadd.s32 $0xFFFFFE00  }
0x18: {  	[tilespmem:s5], [sflag:$0x1] =	stream.indirect.gather [hbm4b:s3+s14], $0x20, s2, s14, $0xb8;
	[tilespmem:$0x8400] =	vst v63  }
0x19: {  	s21 =	simm.s32 $0x1400  }
0x1a: {  	[tilespmem:s21], [sflag:$0x1] =	stream.indirect.gather [hbm4b:s3+s14], $0x20, s14, s14, $0xb8;
	[tilespmem:$0x8400] =	vst v63  }
0x1b: {  	s22 =	simm.s32 $0x100;
	s6 =	simm.s32 $0x2400  }
0x1c: {  	[tilespmem:s6], [sflag:$0x1] =	stream.indirect.gather [hbm4b:s3+s14], $0x20, s22, s14, $0xb8;
	[tilespmem:$0x8400] =	vst v63  }
0x1d: {  	s23 =	simm.s32 $0x180;
	s24 =	simm.s32 $0x3400  }
0x1e: {  	[tilespmem:s24], [sflag:$0x1] =	stream.indirect.gather [hbm4b:s3+s14], $0x20, s23, s14, $0xb8;
	[tilespmem:$0x8400] =	vst v63  }
0x1f: {  	s26 =	simm.s32 $0x200;
	s25 =	rddreg [dreg:$0x6]  }
0x20: {  	[tilespmem:s26], [sflag:$0x5] =	stream.linear.gather [hbm4b:s25+s2], $0x200, $0x38;
	[tilespmem:$0x8400] =	vst v63  }
0x21: {  	_ =	swait.ge [sflag:s13], $0x200  }
0x22: {  	[sflag:s13] =	ssyncset.done $0x0  }
0x23: {  	[sflag:s13] =	ssyncadd.s32 $0xFFFFFE00  }
0x24: {  	[tilespmem:s9], [sflag:$0x2] =	stream.indirect.gather [hbm4b:s8+s14], $0x20, s26, s14, $0xb8;
	[tilespmem:$0x8400] =	vst v63  }
0x25: {  	s10 =	simm.s32 $0x5400;
	s9 =	simm.s32 $0x280  }
0x26: {  	[tilespmem:s10], [sflag:$0x2] =	stream.indirect.gather [hbm4b:s8+s14], $0x20, s9, s14, $0xb8;
	[tilespmem:$0x8400] =	vst v63  }
0x27: {  	s15 =	simm.s32 $0x300;
	s16 =	simm.s32 $0x6400  }
0x28: {  	[tilespmem:s16], [sflag:$0x2] =	stream.indirect.gather [hbm4b:s8+s14], $0x20, s15, s14, $0xb8;
	[tilespmem:$0x8400] =	vst v63  }
0x29: {  	s19 =	simm.s32 $0x380;
	s20 =	simm.s32 $0x7400  }
0x2a: {  	[tilespmem:s20], [sflag:$0x2] =	stream.indirect.gather [hbm4b:s8+s14], $0x20, s19, s14, $0xb8;
	[tilespmem:$0x8400] =	vst v63  }
0x2b: {  	_ =	swait.ge [sflag:s30], $0x1000  }
0x2c: {  	[sflag:s30] =	ssyncset.done $0x0  }
0x2d: {  	[sflag:s30] =	ssyncadd.s32 $0xFFFFF000  }
0x2e: {  	_ =	swait.ge [sflag:s30], $0x1000  }
0x2f: {  	[sflag:s30] =	ssyncset.done $0x0  }
0x30: {  	[sflag:s30] =	ssyncadd.s32 $0xFFFFF000  }
0x31: {  	_ =	swait.ge [sflag:s30], $0x1000  }
0x32: {  	[sflag:s30] =	ssyncset.done $0x0  }
0x33: {  	[sflag:s30] =	ssyncadd.s32 $0xFFFFF000  }
0x34: {  	_ =	swait.ge [sflag:s30], $0x1000  }
0x35: {  	s22 =	sand.u32 $0x1, s1;
	[sflag:s30] =	ssyncset.done $0x0  }
0x36: {  	s23 =	sadd.s32 $0x3, s22;
	s21 =	rddreg [dreg:$0x7];
	[sflag:s30] =	ssyncadd.s32 $0xFFFFF000  }
0x37: {  	[hbm4b:s21+s31] =	stream.strided.scatter [tilespmem:s5], [sflag:$0x3], $0x4000, s0, s31, $0x38;
	[tilespmem:$0x8400] =	vst v63  }
0x38: {  	_ =	swait.ge [sflag:s23], $0x4000  }
0x39: {  	[sflag:s23] =	ssyncset.done $0x0  }
0x3a: {  	s24 =	sshll.u32 s22, $0x9;
	[sflag:s23] =	ssyncadd.s32 $0xFFFFC000  }
0x3b: {  	[tilespmem:s24], [sflag:$0x5] =	stream.linear.gather [hbm4b:s11+s2], $0x200, $0x38;
	[tilespmem:$0x8400] =	vst v63  }
0x3c: {  	_ =	swait.ge [sflag:s13], $0x200  }
0x3d: {  	s25 =	sshll.u32 s22, $0xE;
	[sflag:s13] =	ssyncset.done $0x0  }
0x3e: {  	s10 =	sor.u32 $0x400, s25;
	s19 =	sadd.s32 $0x1, s22;
	[sflag:s13] =	ssyncadd.s32 $0xFFFFFE00  }
0x3f: {  	[tilespmem:s10], [sflag:s19] =	stream.indirect.gather [hbm4b:s12+s14], $0x20, s24, s14, $0xb8;
	[tilespmem:$0x8400] =	vst v63  }
0x40: {  	s26 =	sor.u32 $0x1400, s25;
	s20 =	sor.u32 $0x80, s24  }
0x41: {  	[tilespmem:s26], [sflag:s19] =	stream.indirect.gather [hbm4b:s12+s14], $0x20, s20, s14, $0xb8;
	[tilespmem:$0x8400] =	vst v63  }
0x42: {  	s4 =	sxor.u32 $0x1, s22;
	s9 =	sor.u32 $0x2400, s25;
	s15 =	sor.u32 $0x100, s24  }
0x43: {  	[tilespmem:s9], [sflag:s19] =	stream.indirect.gather [hbm4b:s12+s14], $0x20, s15, s14, $0xb8;
	[tilespmem:$0x8400] =	vst v63  }
0x44: {  	s6 =	sor.u32 $0x3400, s25;
	s16 =	sadd.s32 $0x1, s4;
	s5 =	sor.u32 $0x180, s24  }
0x45: {  	[tilespmem:s6], [sflag:s19] =	stream.indirect.gather [hbm4b:s12+s14], $0x20, s5, s14, $0xb8;
	[tilespmem:$0x8400] =	vst v63  }
0x46: {  	_ =	swait.ge [sflag:s16], $0x1000  }
0x47: {  	[sflag:s16] =	ssyncset.done $0x0  }
0x48: {  	[sflag:s16] =	ssyncadd.s32 $0xFFFFF000  }
0x49: {  	_ =	swait.ge [sflag:s16], $0x1000  }
0x4a: {  	[sflag:s16] =	ssyncset.done $0x0  }
0x4b: {  	s28 =	sadd.s32 $0x800, s11;
	[sflag:s16] =	ssyncadd.s32 $0xFFFFF000  }
0x4c: {  	s29 =	sadd.s32 $0x3, s4;
	s22 =	sshll.u32 s4, $0xE;
	_ =	swait.ge [sflag:s16], $0x1000  }
0x4d: {  	s4 =	sor.u32 $0x400, s22;
	s21 =	simm.s32 $0x3;
	[sflag:s16] =	ssyncset.done $0x0  }
0x4e: {  	s24 =	sadd.s32 $0x61A80, s12;
	s26 =	sand.u32 $0x1, s21;
	[sflag:s16] =	ssyncadd.s32 $0xFFFFF000  }
0x4f: {  	s10 =	smov.u32 s7;
	s20 =	sxor.u32 $0x1, s26;
	_ =	swait.ge [sflag:s16], $0x1000  }
0x50: {  	s25 =	sshll.u32 s26, $0xE;
	s23 =	sshll.u32 s20, $0xE;
	[sflag:s16] =	ssyncset.done $0x0  }
0x51: {  	s6 =	simm.s32 $0x4;
	s19 =	sadd.s32 $0x4, s7;
	[sflag:s16] =	ssyncadd.s32 $0xFFFFF000  }
.LBB2_2:
0x52: {  	[hbm4b:s10+s31] =	stream.strided.scatter [tilespmem:s4], [sflag:s29], $0x4000, s0, s31, $0x38;
	[tilespmem:$0x8400] =	vst v63  }
0x53: {  	s5 =	smov.u32 s6;
	s29 =	smov.u32 s20;
	s4 =	smov.u32 s23  }
0x54: {  	s10 =	sadd.s32 $0x3, s26;
	s9 =	sand.u32 $0x1, s5;
	s5 =	sadd.s32 $0x1, s6  }
0x55: {  	s20 =	sxor.u32 $0x1, s9;
	s15 =	sshll.u32 s9, $0xE;
	_ =	swait.ge [sflag:s10], $0x4000  }
0x56: {  	p0 =	sne.s32 s6, $0x19;
	s23 =	sshll.u32 s20, $0xE;
	[sflag:s10] =	ssyncset.done $0x0  }
0x57: {  	s6 =	sshll.u32 s26, $0x9;
	[sflag:s10] =	ssyncadd.s32 $0xFFFFC000;
	s10 =	smov.u32 s19  }
0x58: {  	[tilespmem:s6], [sflag:$0x5] =	stream.linear.gather [hbm4b:s28+s2], $0x200, $0x38;
	[tilespmem:$0x8400] =	vst v63  }
0x59: {  	_ =	swait.ge [sflag:s13], $0x200  }
0x5a: {  	[sflag:s13] =	ssyncset.done $0x0  }
0x5b: {  	s21 =	sor.u32 $0x400, s25;
	s22 =	sadd.s32 $0x1, s26;
	[sflag:s13] =	ssyncadd.s32 $0xFFFFFE00  }
0x5c: {  	[tilespmem:s21], [sflag:s22] =	stream.indirect.gather [hbm4b:s24+s14], $0x20, s6, s14, $0xb8;
	[tilespmem:$0x8400] =	vst v63  }
0x5d: {  	s16 =	sor.u32 $0x80, s6;
	s26 =	smov.u32 s9;
	s21 =	sor.u32 $0x1400, s25  }
0x5e: {  	[tilespmem:s21], [sflag:s22] =	stream.indirect.gather [hbm4b:s24+s14], $0x20, s16, s14, $0xb8;
	[tilespmem:$0x8400] =	vst v63  }
0x5f: {  	s9 =	sor.u32 $0x2400, s25;
	s16 =	sor.u32 $0x100, s6  }
0x60: {  	[tilespmem:s9], [sflag:s22] =	stream.indirect.gather [hbm4b:s24+s14], $0x20, s16, s14, $0xb8;
	[tilespmem:$0x8400] =	vst v63  }
0x61: {  	s6 =	sor.u32 $0x180, s6;
	s9 =	sor.u32 $0x3400, s25;
	s16 =	sadd.s32 $0x1, s29  }
0x62: {  	[tilespmem:s9], [sflag:s22] =	stream.indirect.gather [hbm4b:s24+s14], $0x20, s6, s14, $0xb8;
	[tilespmem:$0x8400] =	vst v63  }
0x63: {  	s25 =	smov.u32 s15;
	_ =	swait.ge [sflag:s16], $0x1000  }
0x64: {  	[sflag:s16] =	ssyncset.done $0x0  }
0x65: {  	[sflag:s16] =	ssyncadd.s32 $0xFFFFF000  }
0x66: {  	_ =	swait.ge [sflag:s16], $0x1000  }
0x67: {  	[sflag:s16] =	ssyncset.done $0x0  }
0x68: {  	[sflag:s16] =	ssyncadd.s32 $0xFFFFF000  }
0x69: {  	_ =	swait.ge [sflag:s16], $0x1000  }
.Ltmp0:
0x6a: {  	[sflag:s16] =	ssyncset.done $0x0;
	(pc) =	sbr.rel @p0 .LBB2_2-.Ltmp0, $4  }
0x6b: {  	[sflag:s16] =	ssyncadd.s32 $0xFFFFF000  }
0x6c: {  	s4 =	sor.u32 $0x400, s4;
	s24 =	sadd.s32 $0x61A80, s24;
	_ =	swait.ge [sflag:s16], $0x1000  }
0x6d: {  	s19 =	sadd.s32 $0x4, s19;
	s28 =	sadd.s32 $0x800, s28;
	[sflag:s16] =	ssyncset.done $0x0  }
0x6e: {  	s29 =	sadd.s32 $0x3, s29;
	s6 =	smov.u32 s5;
	[sflag:s16] =	ssyncadd.s32 $0xFFFFF000  }
0x6f: {  	[hbm4b:s10+s31] =	stream.strided.scatter [tilespmem:s4], [sflag:s29], $0x4000, s0, s31, $0x38;
	[tilespmem:$0x8400] =	vst v63  }
0x70: {  	s22 =	sadd.s32 $0x3, s26  }
0x71: {  	_ =	swait.ge [sflag:s22], $0x4000  }
0x72: {  	[sflag:s22] =	ssyncset.done $0x0  }
0x73: {  	s29 =	sshll.u32 s26, $0x9;
	[sflag:s22] =	ssyncadd.s32 $0xFFFFC000  }
0x74: {  	[tilespmem:s29], [sflag:$0x5] =	stream.linear.gather [hbm4b:s28+s2], $0x200, $0x38;
	[tilespmem:$0x8400] =	vst v63  }
0x75: {  	_ =	swait.ge [sflag:s13], $0x200  }
0x76: {  	[sflag:s13] =	ssyncset.done $0x0  }
0x77: {  	s5 =	sor.u32 $0x400, s25;
	s6 =	sadd.s32 $0x1, s26;
	[sflag:s13] =	ssyncadd.s32 $0xFFFFFE00  }
0x78: {  	[tilespmem:s5], [sflag:s6] =	stream.indirect.gather [hbm4b:s24+s14], $0x20, s29, s14, $0xb8;
	[tilespmem:$0x8400] =	vst v63  }
0x79: {  	s10 =	sor.u32 $0x1400, s25;
	s9 =	sor.u32 $0x80, s29  }
0x7a: {  	[tilespmem:s10], [sflag:s6] =	stream.indirect.gather [hbm4b:s24+s14], $0x20, s9, s14, $0xb8;
	[tilespmem:$0x8400] =	vst v63  }
0x7b: {  	s15 =	sor.u32 $0x2400, s25;
	s16 =	sor.u32 $0x100, s29  }
0x7c: {  	[tilespmem:s15], [sflag:s6] =	stream.indirect.gather [hbm4b:s24+s14], $0x20, s16, s14, $0xb8;
	[tilespmem:$0x8400] =	vst v63  }
0x7d: {  	s21 =	sor.u32 $0x3400, s25;
	s4 =	sor.u32 $0x180, s29;
	s22 =	sadd.s32 $0x1, s20  }
0x7e: {  	[tilespmem:s21], [sflag:s6] =	stream.indirect.gather [hbm4b:s24+s14], $0x20, s4, s14, $0xb8;
	[tilespmem:$0x8400] =	vst v63  }
0x7f: {  	_ =	swait.ge [sflag:s22], $0x1000  }
0x80: {  	[sflag:s22] =	ssyncset.done $0x0  }
0x81: {  	[sflag:s22] =	ssyncadd.s32 $0xFFFFF000  }
0x82: {  	_ =	swait.ge [sflag:s22], $0x1000  }
0x83: {  	[sflag:s22] =	ssyncset.done $0x0  }
0x84: {  	[sflag:s22] =	ssyncadd.s32 $0xFFFFF000  }
0x85: {  	_ =	swait.ge [sflag:s22], $0x1000  }
0x86: {  	[sflag:s22] =	ssyncset.done $0x0  }
0x87: {  	[sflag:s22] =	ssyncadd.s32 $0xFFFFF000  }
0x88: {  	_ =	swait.ge [sflag:s22], $0x1000  }
0x89: {  	[sflag:s22] =	ssyncset.done $0x0  }
0x8a: {  	s25 =	sor.u32 $0x400, s23;
	s24 =	sadd.s32 $0x3, s20;
	[sflag:s22] =	ssyncadd.s32 $0xFFFFF000  }
0x8b: {  	[hbm4b:s19+s31] =	stream.strided.scatter [tilespmem:s25], [sflag:s24], $0x4000, s0, s31, $0x38;
	[tilespmem:$0x8400] =	vst v63  }
0x8c: {  	_ =	swait.ge [sflag:s1], $0x1000  }
0x8d: {  	[sflag:s1] =	ssyncset.done $0x0  }
0x8e: {  	[sflag:s1] =	ssyncadd.s32 $0xFFFFF000  }
0x8f: {  	_ =	swait.ge [sflag:s1], $0x1000  }
0x90: {  	[sflag:s1] =	ssyncset.done $0x0  }
0x91: {  	[sflag:s1] =	ssyncadd.s32 $0xFFFFF000  }
0x92: {  	_ =	swait.ge [sflag:s1], $0x1000  }
0x93: {  	[sflag:s1] =	ssyncset.done $0x0  }
0x94: {  	[sflag:s1] =	ssyncadd.s32 $0xFFFFF000  }
0x95: {  	_ =	swait.ge [sflag:s1], $0x1000  }
0x96: {  	s28 =	simm.s32 $0x3;
	[sflag:s1] =	ssyncset.done $0x0  }
0x97: {  	s9 =	simm.s32 $0x4400;
	s26 =	rddreg [dreg:$0x3];
	[sflag:s1] =	ssyncadd.s32 $0xFFFFF000  }
0x98: {  	[hbm4b:s26+s31] =	stream.strided.scatter [tilespmem:s9], [sflag:$0x4], $0x4000, s0, s31, $0x38;
	[tilespmem:$0x8400] =	vst v63  }
0x99: {  	_ =	swait.ge [sflag:s28], $0x4000  }
0x9a: {  	[sflag:s28] =	ssyncset.done $0x0  }
0x9b: {  	[sflag:s28] =	ssyncadd.s32 $0xFFFFC000  }
0x9c: {  	_ =	swait.ge [sflag:s17], $0x4000  }
0x9d: {  	s18 =	sadd.s32 $0x1, s18;
	s29 =	rddreg [dreg:$0x5]  }
0x9e: {  	p0 =	sne.s32 s18, s29  }
.Ltmp1:
0x9f: {  	_ = 	snop;
	(pc) =	sbr.rel @p0 .LBB2_1-.Ltmp1, $3  }
0xa0: {  	_ =	sdelay $0x1  }
0xa1: {  	[sflag:s17] =	ssyncset.done $0x0  }
0xa2: {  	[sflag:s17] =	ssyncadd.s32 $0xFFFFC000  }
0xa3: {  	_ =	sfence.sel $0x180000  }
0xa4: {  	[bflag:$0x0] =	sbarrier.arrive $0xFFFF  }
0xa5: {  	_ =	strace $0x90000047  }
0xa6: {  	s0 =	stileid.u32;
	[bflag:$0x2] =	sbarrier.arrive $0xFFFF  }
0xa7: {  	p0 =	sne.s32 s0, $0x0;
	s0 =	rddreg [dreg:$0x2]  }
0xa8: {  	s0 =	sadd.s32 @!p0 $0x100000, s0  }
0xa9: {  	[sflag:s0] =	ssyncadd.tile.s32 @!p0 $0x1;
	_ =	shalt  }
.Lfunc_end2:
_tile_overlayer_lowered:
.L_overlay_start_2:
0xaa: {  	(tag) =	ssettag $0x2  }
0xab: {  	s0 =	rddreg [dreg:$0x0];
	s2 =	stileid.u32  }
0xac: {  	s1 =	rddreg [dreg:$0x1];
	p0 =	sne.s32 s2, $0x0  }
0xad: {  	s3 =	rddreg [dreg:$0x2];
	[bflag:$0x3] =	sbarrier.arrive $0xFFFF;
	s2 =	simm.s32 @!p0 $0x1C05  }
0xae: {  	[timem:s3], [sflag:s2] =	dma.local @!p0 [hbm:s0], s1  }
0xaf: {  	s0 =	simm.s32 @!p0 $0x5  }
0xb0: {  	_ =	swait.ge @!p0 [sflag:s0], s1  }
0xb1: {  	s1 =	ssub.s32 @!p0 $0x0, s1;
	[sflag:s0] =	ssyncset.done @!p0 $0x0  }
0xb2: {  	[sflag:s0] =	ssyncadd.s32 @!p0 s1  }
0xb3: {  	[bflag:$0x3] =	sbarrier.arrive $0xFFFF  }
0xb4: {  	_ =	shalt  }

// kernel: sparse-core-data-format-call.cloned.1.call-start
scs
called_computation_lowered:
.L_overlay_start_0:
0x0: {  	s2 =	sld [smem:$0x3FD9]  }
0x1: {  	s3 =	sld [smem:$0x3FFE];
	_ =	sdelay $0x1  }
0x2: {  	s1 =	srdreg.scid  }
0x3: {  	s0 =	sand.u32 $0x1, s1  }
0x4: {  	s18 =	sshll.u32 s0, $0xA;
	s2 =	sadd.s32 s3, s2  }
0x5: {  	s2 =	sadd.s32 s2, s18  }
0x6: {  	[smem:$0x3FC6] =	sst s2  }
0x7: {  	_ = 	snop  }
0x8: {  	s2 =	sld [smem:$0x3FD0];
	(tm) =	ssettm $0x1  }
0x9: {  	s19 =	sld [smem:$0x3FFB];
	_ =	sdelay $0x3  }
0xa: {  	_ =	strace s19  }
0xb: {  	s3 =	sld [smem:$0x3FFC];
	_ =	sdelay $0x3  }
0xc: {  	_ =	strace s3  }
0xd: {  	s3 =	sld [smem:$0x3FFD];
	_ =	sdelay $0x3  }
0xe: {  	_ =	strace s3  }
0xf: {  	_ =	strace $0x8FFFFFFF  }
0x10: {  	s20 =	sld [smem:$0x3FDB];
	_ =	sdelay $0x1  }
0x11: {  	s4 =	simm.s32 $_scs_section_size  }
0x12: {  	s5 =	simm.s32 $_size__tile_overlayer_lowered;
	s6 =	simm.s32 $_tile_overlayer_lowered  }
0x13: {  	s23 =	simm.s32 $0x1BFF;
	s22 =	sshll.u32 s6, $0x1;
	s3 =	sadd.s32 s4, s20  }
0x14: {  	s7 =	simm.s32 $0x0;
	s21 =	sshll.u32 s5, $0x1;
	s5 =	sadd.s32 s22, s3  }
0x15: {  	[timem:s7], [sflag:s23] =	dma.local [hbm:s5], s21  }
0x16: {  	_ =	swait.ge [sflag:s23], s21  }
0x17: {  	s4 =	ssub.s32 $0x0, s21;
	[sflag:s23] =	ssyncset.done $0x0  }
0x18: {  	[sflag:s23] =	ssyncadd.s32 s4;
	_ =	sdelay $0x1  }
0x19: {  	s24 =	simm.s32 $0x1B8B  }
0x1a: {  	_ =	swait.ge [sflag:s24], $0x1  }
0x1b: {  	[sflag:s24] =	ssyncset.done $0x0  }
0x1c: {  	s26 =	simm.s32 $0x1B8E;
	s25 =	sld [smem:$0x3FFE];
	[sflag:s24] =	ssyncadd.s32 $0xFFFFFFFF  }
0x1d: {  	s27 =	simm.s32 $execute0_lowered;
	[smem:$0x3FD2] =	sst s26  }
0x1e: {  	s5 =	sshll.u32 s27, $0x1;
	_ =	strace $0x80000049;
	[dreg:$0x1] =	wrdreg $0xFFFFFFFF  }
0x1f: {  	s28 =	simm.s32 $_size_execute0_lowered;
	s3 =	sadd.s32 s3, s5;
	[dreg:$0x0] =	wrdreg $0x0  }
0x20: {  	s5 =	sshll.u32 s28, $0x1;
	[dreg:$0x2] =	wrdreg s3  }
0x21: {  	[dreg:$0x3] =	wrdreg s5  }
0x22: {  	[dreg:$0x4] =	wrdreg $0xC0  }
0x23: {  	_ =	task [dreg:s7], $0x5FFFF  }
0x24: {  	[dreg:$0x1] =	wrdreg $0xFFFFFFFF  }
0x25: {  	[dreg:$0x0] =	wrdreg $0x60  }
0x26: {  	[dreg:$0x2] =	wrdreg s25  }
0x27: {  	[dreg:$0x3] =	wrdreg s2  }
0x28: {  	[dreg:$0x4] =	wrdreg $0x9  }
0x29: {  	_ =	task.clear_ibuf [dreg:s7], $0x5FFFF;
	_ =	strace $0x90000049  }
0x2a: {  	s29 =	simm.s32 $0x9;
	_ =	strace $0x8000004B  }
0x2b: {  	_ =	swait.ge [sflag:s29], $0x1  }
0x2c: {  	[sflag:s29] =	ssyncadd.s32 $0xFFFFFFFF  }
0x2d: {  	_ =	strace $0x9000004B  }
0x2e: {  	_ =	sfence  }
0x2f: {  	s30 =	sld [smem:$0x0];
	_ =	sdelay $0x2  }
0x30: {  	s31 =	sshll.u32 s1, $0xD;
	s1 =	sshrl.u32 s1, $0x2  }
0x31: {  	s3 =	sand.u32 $0x4000, s31;
	s1 =	sadd.s32 s1, s30  }
0x32: {  	s0 =	sor.u32 s3, s0;
	s1 =	sshll.u32 s1, $0x11  }
0x33: {  	s0 =	sor.u32 s1, s0  }
0x34: {  	s0 =	sadd.s32 $0x8F2B, s0  }
0x35: {  	[sflag:s0] =	ssyncadd.remote.s32 $0x1  }
0x36: {  	_ =	sfence.sel $0xFFFF  }
0x37: {  	[dreg:$0x0] =	wrdreg $0xFFFFFFFF;
	(pc) =	sbr.abs _section_cstart, $3  }
0x38: {  	[dreg:$0x1] =	wrdreg $0xFFFFFFFF  }
0x39: {  	_ =	task.clear_ibuf [dreg:s7], $0x2FFFF;
	_ =	strace $0x9FFFFFFF  }
0x3a: {  	(tm) =	ssettm $0x7FFFFFFF  }
0x3b: {  	_ =	shalt  }
tec
execute0_lowered:
.L_overlay_start_1:
0x0: {  	(tag) =	ssettag $0x1  }
0x1: {  	s0 =	srdreg.scid  }
0x2: {  	s1 =	sshll.u32 s0, $0x4  }
0x3: {  	s0 =	stileid.u32;
	s1 =	sand.u32 $0x10, s1  }
0x4: {  	s1 =	sor.u32 s0, s1  }
0x5: {  	s6 =	rddreg [dreg:$0x0];
	s4 =	simm.s32 $0x1;
	s2 =	sshll.u32 s1, $0x7  }
0x6: {  	s7 =	simm.s32 $0x2;
	s12 =	simm.s32 $0x0;
	s1 =	ssub.s32 $0x4000, s2  }
0x7: {  	s8 =	simm.s32 $0x20000;
	s13 =	simm.s32 $0x0;
	s3 =	sand.u32 $0xF80, s1  }
0x8: {  	s9 =	simm.s32 $0x0;
	s5 =	sshrl.u32 s1, $0xC;
	p0 =	sne.s32 s3, $0x0  }
.Ltmp0:
0x9: {  	s1 =	rddreg [dreg:$0x2];
	s4 =	simm.s32 @!p0 $0x0;
	(pc) =	sbr.rel .LBB1_1-.Ltmp0, $4  }
0xa: {  	s11 =	simm.s32 $0x0;
	s3 =	rddreg [dreg:$0x1];
	s5 =	sadd.s32 s4, s5  }
0xb: {  	_ =	strace $0x8000004A;
	s4 =	simm.s32 $0x1;
	s5 =	smul.u32 $0x1A, s5  }
0xc: {  	s6 =	sadd.s32 $0xA00, s6;
	s10 =	smov.u32 s2;
	[sflag:s4] =	ssyncpa.u1 $0x0  }
0xd: {  	p0 =	por $0x0, $0x0;
	[sflag:s7] =	ssyncpa.u1 $0x0;
	s7 =	sor.u32 $0x1, s5  }
.LBB1_4:
0xe: {  	s16 =	sshll.u32 s13, $0x3;
	s17 =	sand.u32 $0x78, s13  }
0xf: {  	s30 =	sand.u32 $0xF800, s13;
	s12 =	sshll.u32 s12, $0x10;
	s16 =	sand.u32 $0x3C00, s16  }
0x10: {  	s31 =	sand.u32 $0x7, s13;
	s16 =	sor.u32 s17, s16;
	s17 =	sadd.s32 s3, s30  }
0x11: {  	s13 =	sshll.u32 s31, $0x12;
	s16 =	sshrl.u32 s16, $0x3;
	s12 =	sadd.s32 s12, s17  }
0x12: {  	[tilespmem:s15+$0x0 ss:$0x81] =	vst.msk $0xffff, v0;
	s13 =	sor.u32 $0x400, s13;
	s12 =	sadd.s32 s16, s12  }
0x13: {  	[hbm4b:s12+s13] =	stream.strided.scatter [tilespmem:s14], [sflag:$0x2], $0x1000, s8, s13, $0x20;
	[tilespmem:$0x4040] =	vst v63  }
.LBB1_5:
0x14: {  	s14 =	sadd.s32 $0x1, s9  }
0x15: {  	s12 =	sadd.s32 $0x1000, s10;
	s16 =	smov.u32 s10;
	p2 =	sgt.s32 s14, $0x19  }
0x16: {  	s16 =	smov.u32 @p2 s12  }
0x17: {  	s14 =	simm.s32 @p2 $0x0;
	p2 =	sgt.s32 s16, $0x3FFF  }
0x18: {  	s16 =	smov.u32 @p2 s2;
	p2 =	sne.s32 s11, s7  }
.Ltmp1:
0x19: {  	p1 =	slt.u32 s11, $0x2;
	(pc) =	sbr.rel @!p2 .LBB1_6-.Ltmp1, $4  }
0x1a: {  	s15 =	simm.s32 @!p1 $0x2  }
0x1b: {  	s13 =	smov.u32 s10;
	p0 =	por !p0, !p0;
	_ =	swait.ge @!p1 [sflag:s15], $0x1000  }
0x1c: {  	s12 =	smov.u32 s9;
	[sflag:s15] =	ssyncset.done @!p1 $0x0;
	s9 =	smov.u32 s14  }
0x1d: {  	s11 =	sadd.s32 $0x1, s11;
	[sflag:s15] =	ssyncadd.s32 @!p1 $0xFFFFF000;
	s10 =	smov.u32 s16  }
.LBB1_1:
0x1e: {  	p1 =	sge.u32 s11, s5  }
0x1f: {  	s31 =	sadd.s32 $0xFFFFFFFF, s11;
	s14 =	sxor.u32 @!p1 $0xFFFFFFFF, s11  }
0x20: {  	s15 =	sshll.u32 @!p1 s10, $0x9;
	s16 =	sshll.u32 @!p1 s9, $0x4;
	s17 =	simm.s32 @!p1 $0x1000  }
0x21: {  	s14 =	sshll.u32 @!p1 s14, $0xC;
	s16 =	sand.u32 @!p1 $0x1F0, s16;
	s15 =	sadd.s32 @!p1 s6, s15  }
0x22: {  	s14 =	sand.u32 @!p1 $0x1000, s14;
	s15 =	sadd.s32 @!p1 s16, s15;
	s16 =	simm.s32 @!p1 $0x20  }
0x23: {  	[tilespmem:s14], [sflag:$0x1] =	stream.strided.gather @!p1 [hbm4b:s15+s16], $0x1000, s17, s16, $0x38;
	[tilespmem:$0x4040] =	vst v63  }
0x24: {  	p1 =	sge.u32 s31, s5  }
.Ltmp2:
0x25: {  	_ = 	snop;
	(pc) =	sbr.rel @p1 .LBB1_5-.Ltmp2, $1  }
0x26: {  	_ =	sdelay $0x3  }
0x27: {  	s14 =	simm.s32 $0x1  }
0x28: {  	_ =	swait.ge [sflag:s4], $0x1000;
	s14 =	simm.s32 @!p0 $0x0  }
0x29: {  	[sflag:s4] =	ssyncset.done $0x0;
	s15 =	sshll.u32 s14, $0xC  }
0x2a: {  	[sflag:s4] =	ssyncadd.s32 $0xFFFFF000;
	s18 =	sor.u32 $0x10, s15  }
0x2b: {  	s14 =	smul.u32 $0x4080, s14;
	v1 =	vld [tilespmem:s18+$0x0]  }
0x2c: {  	s30 =	sand.u32 $0x1, s11;
	v0 =	vld [tilespmem:s18+$0xFFFFFFF0]  }
0x2d: {  	s15 =	smul.u32 $0x4080, s30;
	s14 =	sshrl.u32 s14, $0x2  }
0x2e: {  	s16 =	sor.u32 $0x2000, s14  }
0x2f: {  	s31 =	sshrl.u32 s15, $0x2;
	s15 =	sadd.s32 $0x0, s16  }
0x30: {  	s17 =	simm.s32 $0x4;
	s18 =	sadd.s32 $0x20, s18;
	s14 =	sor.u32 $0x2000, s31;
	[tilespmem:s15+$0x810 ss:$0x81] =	vst.msk $0xffff, v1  }
.LBB1_3:
0x31: {  	v1 =	vld [tilespmem:s18+$0x0];
	p1 =	sne.s32 s17, $0x1FC;
	[tilespmem:s15+$0x0 ss:$0x81] =	vst.msk $0xffff, v0;
	s15 =	smov.u32 s17;
	s17 =	sadd.s32 $0x4, s17  }
.Ltmp3:
0x32: {  	v0 =	vld [tilespmem:s18+$0xFFFFFFF0];
	(pc) =	sbr.rel @p1 .LBB1_3-.Ltmp3, $4  }
0x33: {  	_ = 	snop  }
0x34: {  	s15 =	sshra.s32 s15, $0x2  }
0x35: {  	s15 =	sadd.s32 s15, s16  }
0x36: {  	s18 =	sadd.s32 $0x20, s18;
	[tilespmem:s15+$0x810 ss:$0x81] =	vst.msk $0xffff, v1  }
.Ltmp4:
0x37: {  	_ = 	snop;
	(pc) =	sbr.rel .LBB1_4-.Ltmp4, $1  }
0x38: {  	_ =	sdelay $0x3  }
.LBB1_6:
0x39: {  	_ =	sfence.sel $0x180000  }
0x3a: {  	s2 =	simm.s32 $0x1;
	[bflag:$0x0] =	sbarrier.arrive $0xFFFF  }
0x3b: {  	s31 =	simm.s32 $0x2;
	[sflag:s2] =	ssyncpa.u1 $0x1  }
0x3c: {  	[sflag:s31] =	ssyncpa.u1 $0x1  }
0x3d: {  	p0 =	sne.s32 s0, $0x0;
	_ =	strace $0x9000004A  }
0x3e: {  	s0 =	sadd.s32 @!p0 $0x100000, s1;
	[bflag:$0x2] =	sbarrier.arrive $0xFFFF  }
0x3f: {  	[sflag:s0] =	ssyncadd.tile.s32 @!p0 $0x1;
	_ =	shalt  }
.Lfunc_end1:
_tile_overlayer_lowered:
.L_overlay_start_2:
0x40: {  	(tag) =	ssettag $0x2  }
0x41: {  	s0 =	rddreg [dreg:$0x0];
	s2 =	stileid.u32  }
0x42: {  	s1 =	rddreg [dreg:$0x1];
	p0 =	sne.s32 s2, $0x0  }
0x43: {  	s3 =	rddreg [dreg:$0x2];
	[bflag:$0x3] =	sbarrier.arrive $0xFFFF;
	s2 =	simm.s32 @!p0 $0x1C01  }
0x44: {  	[timem:s3], [sflag:s2] =	dma.local @!p0 [hbm:s0], s1  }
0x45: {  	s0 =	simm.s32 @!p0 $0x1  }
0x46: {  	_ =	swait.ge @!p0 [sflag:s0], s1  }
0x47: {  	s1 =	ssub.s32 @!p0 $0x0, s1;
	[sflag:s0] =	ssyncset.done @!p0 $0x0  }
0x48: {  	[sflag:s0] =	ssyncadd.s32 @!p0 s1  }
0x49: {  	[bflag:$0x3] =	sbarrier.arrive $0xFFFF  }
0x4a: {  	_ =	shalt  }

</sc_bundles>
